<compile_context>
chip_gen: v7x
topology: tpu7x:2x2x1
jax: 0.10.2.dev20260603
libtpu: 0.0.44.dev20260713+nightly
codegen_flags: <defaults>
</compile_context>

<pallas_src>
import functools
import math

import jax
import jax.numpy as jnp
from jax import lax
from jax.experimental import pallas as pl
from jax.experimental.pallas import tpu as pltpu
from jax.experimental.pallas import tpu_sc as plsc

_NC = 2
_NS = 16
_NW = _NC * _NS
_L = 16

_CH = 8
_NBUF = 3
_UNROLL = 8


def _start_copy(src, dst, sem):
    cp = pltpu.make_async_copy(src, dst, sem)
    cp.start()
    return cp


@functools.lru_cache(maxsize=None)
def _make_joint(S, D, n_seg):
    rpw = S // _NW
    n_chunk = rpw // _CH
    sqrt_d = math.sqrt(D)
    n_col = D // _L

    mesh = plsc.VectorSubcoreMesh(core_axis_name="c", subcore_axis_name="s")

    @functools.partial(
        pl.kernel,
        out_type=jax.ShapeDtypeStruct((S, D), jnp.float32),
        mesh=mesh,
        compiler_params=pltpu.CompilerParams(needs_layout_passes=False),
        scratch_types=[
            pltpu.VMEM((S,), jnp.int32),
            pltpu.VMEM((rpw,), jnp.int32),
            pltpu.VMEM((n_seg * D,), jnp.float32),
            pltpu.VMEM((_NBUF * _CH, D), jnp.float32),
        ] + [pltpu.SemaphoreType.DMA] * (2 * _NBUF + 3),
    )
    def joint(x_hbm, sid_hbm, wt_hbm, seg_hbm, out_hbm,
              xall_v, sid_v, add_v, buf_v, *sems):
        wid = lax.axis_index("s") * _NC + lax.axis_index("c")
        base = wid * rpw

        xh = _start_copy(x_hbm, xall_v, sems[2 * _NBUF])
        segh = _start_copy(seg_hbm, add_v, sems[2 * _NBUF + 1])
        sidh = _start_copy(sid_hbm.at[pl.ds(base, rpw)], sid_v,
                           sems[2 * _NBUF + 2])

        def gather_start(c, slot):
            return _start_copy(
                wt_hbm.at[xall_v.at[pl.ds(base + c * _CH, _CH)]],
                buf_v.at[pl.ds(slot * _CH, _CH)],
                sems[slot])

        xh.wait()
        gh = [None] * _NBUF
        oh = [None] * _NBUF
        for s in range(_NBUF - 1):
            if s < n_chunk:
                gh[s] = gather_start(s, s)

        segh.wait()

        @plsc.parallel_loop(0, n_col, unroll=4)
        def _(j):
            xf = xall_v[pl.ds(j * _L, _L)].astype(jnp.float32)
            for s in range(n_seg):
                off = s * D
                add_v[pl.ds(off + j * _L, _L)] = add_v[pl.ds(off + j * _L, _L)] + xf

        sidh.wait()

        for c in range(n_chunk):
            slot = c % _NBUF
            nc = c + _NBUF - 1
            if nc < n_chunk:
                ns = nc % _NBUF
                if oh[ns] is not None:
                    oh[ns].wait()
                    oh[ns] = None
                gh[ns] = gather_start(nc, ns)
            gh[slot].wait()

            def row_body(r, _):
                row = c * _CH + r
                sid_splat = plsc.load_gather(
                    sid_v, [jnp.full((_L,), 0, jnp.int32) + row])
                sid_off = jnp.max(sid_splat) * D

                @plsc.parallel_loop(0, n_col, unroll=_UNROLL)
                def _(j):
                    off = j * _L
                    a = buf_v[slot * _CH + r, pl.ds(off, _L)]
                    ad = add_v[pl.ds(sid_off + off, _L)]
                    buf_v[slot * _CH + r, pl.ds(off, _L)] = a * sqrt_d + ad
                return 0
            lax.fori_loop(0, _CH, row_body, 0)

            oh[slot] = _start_copy(
                buf_v.at[pl.ds(slot * _CH, _CH)],
                out_hbm.at[pl.ds(base + c * _CH, _CH)],
                sems[_NBUF + slot])
        for slot in range(_NBUF):
            if oh[slot] is not None:
                oh[slot].wait()

    return joint


def kernel(x, segment_ids, word_table, seg_table, pe):
    del pe
    _, S = x.shape
    _, D = word_table.shape
    n_seg = seg_table.shape[0]
    joint = _make_joint(S, D, n_seg)
    out = joint(x.reshape(S), segment_ids.reshape(S), word_table,
                seg_table.reshape(n_seg * D))
    return out.reshape(1, S, D)

# --- scband reference (transcript-rebuilt; emitter-appended) ---
"""Pipeline reference for scband-joint-embeddings-29360396435979 (READ-ONLY COPY).

The authoritative reference and input builder live on the scoring server;
editing this copy changes nothing except your own understanding.
"""

import math
import jax, jax.numpy as jnp
import numpy as np

VOCAB = 100000
EMBED_DIM = 2048
MAX_SEQ_LEN = 2048
BATCH = 1
SEQ_LEN = 2048


def setup_inputs(seed: int = 0) -> dict:
    key = jax.random.key(seed)
    k1, k2, k3, k4 = jax.random.split(key, 4)
    x = jax.random.randint(k1, (BATCH, SEQ_LEN), 0, VOCAB, dtype=jnp.int32)
    segment_ids = jax.random.randint(k2, (BATCH, SEQ_LEN), 0, 3, dtype=jnp.int32)
    # nn.Embedding default init: N(0, 1)
    word_table = jax.random.normal(k3, (VOCAB, EMBED_DIM), dtype=jnp.float32)
    seg_table = jax.random.normal(k4, (3, EMBED_DIM), dtype=jnp.float32)
    # PositionEmbedding buffer: the init loop `for i in range(embed_dim, 2)` is empty
    # for embed_dim > 2, so pe is all zeros. Shape [1, max_seq_len, embed_dim].
    pe = jnp.zeros((1, MAX_SEQ_LEN, EMBED_DIM), dtype=jnp.float32)
    return {"x": x, "segment_ids": segment_ids, "word_table": word_table,
            "seg_table": seg_table, "pe": pe}


def reference(x, segment_ids, word_table, seg_table, pe):
    embed_dim = word_table.shape[1]
    seq_len = x.shape[1]
    # word embedding lookup, scaled by sqrt(d)
    word_embed = jnp.take(word_table, x, axis=0) * math.sqrt(embed_dim)  # [B, S, D]
    # faithful reproduction of the (buggy) PositionEmbedding.forward(x):
    # adds the raw integer token tensor to pe[:, :seq_len] via broadcasting
    pos_embed = x.astype(jnp.float32) + pe[:, :seq_len]  # [B,S] + [1,S,D] -> [1,S,D] (B==1, S==D)
    # segment embedding lookup
    seg_embed = jnp.take(seg_table, segment_ids, axis=0)  # [B, S, D]
    joint_embed = word_embed + pos_embed + seg_embed
    # Dropout(0.1) in eval mode is identity
    return joint_embed

if __name__ == "__main__":
    import jax
    _d = setup_inputs()
    print(jax.jit(kernel)(*tuple(_d.values())))

</pallas_src>

<mosaic_0001>
#map = affine_map<(d0, d1) -> (0)>
#map1 = affine_map<(d0, d1) -> (0, 0)>
module attributes {stable_mosaic.version = 14 : i64} {
  func.func @joint(%arg0: i32, %arg1: i32, %arg2: memref<2048xi32, #tpu.memory_space<hbm>>, %arg3: memref<2048xi32, #tpu.memory_space<hbm>>, %arg4: memref<100000x2048xf32, #tpu.memory_space<hbm>>, %arg5: memref<6144xf32, #tpu.memory_space<hbm>>, %arg6: memref<2048x2048xf32, #tpu.memory_space<hbm>>, %arg7: memref<2048xi32, #tpu.memory_space<vmem>>, %arg8: memref<64xi32, #tpu.memory_space<vmem>>, %arg9: memref<6144xf32, #tpu.memory_space<vmem>>, %arg10: memref<24x2048xf32, #tpu.memory_space<vmem>>, %arg11: memref<!tpu.dma_semaphore, #tpu.memory_space<semaphore_mem>>, %arg12: memref<!tpu.dma_semaphore, #tpu.memory_space<semaphore_mem>>, %arg13: memref<!tpu.dma_semaphore, #tpu.memory_space<semaphore_mem>>, %arg14: memref<!tpu.dma_semaphore, #tpu.memory_space<semaphore_mem>>, %arg15: memref<!tpu.dma_semaphore, #tpu.memory_space<semaphore_mem>>, %arg16: memref<!tpu.dma_semaphore, #tpu.memory_space<semaphore_mem>>, %arg17: memref<!tpu.dma_semaphore, #tpu.memory_space<semaphore_mem>>, %arg18: memref<!tpu.dma_semaphore, #tpu.memory_space<semaphore_mem>>, %arg19: memref<!tpu.dma_semaphore, #tpu.memory_space<semaphore_mem>>) attributes {dimension_semantics = [#tpu.dimension_semantics<core_parallel>, #tpu.dimension_semantics<subcore_parallel>], iteration_bounds = array<i64: 2, 16>, scalar_prefetch = 0 : i64, scratch_operands = 13 : i64, tpu.core_type = #tpu.core_type<sc_vector_subcore>, window_params = [{transform_indices = #map}, {transform_indices = #map}, {transform_indices = #map1}, {transform_indices = #map}, {transform_indices = #map1}]} {
    %mul3A = arith.constant 2 : i32
    %mul3A_0 = arith.muli %arg1, %mul3A : i32
    %add3A = arith.addi %mul3A_0, %arg0 : i32
    %mul3A_1 = arith.constant 64 : i32
    %mul3A_2 = arith.muli %add3A, %mul3A_1 : i32
    tpu.enqueue_dma source(%arg2 : memref<2048xi32, #tpu.memory_space<hbm>>) target(%arg7 : memref<2048xi32, #tpu.memory_space<vmem>>) target_semaphore(%arg17 : memref<!tpu.dma_semaphore, #tpu.memory_space<semaphore_mem>>)
    tpu.enqueue_dma source(%arg5 : memref<6144xf32, #tpu.memory_space<hbm>>) target(%arg9 : memref<6144xf32, #tpu.memory_space<vmem>>) target_semaphore(%arg18 : memref<!tpu.dma_semaphore, #tpu.memory_space<semaphore_mem>>)
    %dma_start3A = tpu.memref_slice %arg3[%mul3A_2] : memref<2048xi32, #tpu.memory_space<hbm>> -> memref<64xi32, #tpu.memory_space<hbm>>
    %dma_start3A_3 = tpu.memref_slice %arg3[%mul3A_2] : memref<2048xi32, #tpu.memory_space<hbm>> -> memref<64xi32, #tpu.memory_space<hbm>>
    tpu.enqueue_dma source(%dma_start3A_3 : memref<64xi32, #tpu.memory_space<hbm>>) target(%arg8 : memref<64xi32, #tpu.memory_space<vmem>>) target_semaphore(%arg19 : memref<!tpu.dma_semaphore, #tpu.memory_space<semaphore_mem>>)
    tpu.wait_dma2 semaphore(%arg17 : memref<!tpu.dma_semaphore, #tpu.memory_space<semaphore_mem>>) src(%arg2 : memref<2048xi32, #tpu.memory_space<hbm>>) dst(%arg7 : memref<2048xi32, #tpu.memory_space<vmem>>)
    %add3A_4 = arith.constant 0 : i32
    %add3A_5 = arith.addi %mul3A_2, %add3A_4 : i32
    %dma_start3A_6 = arith.constant 0 : i32
    %dma_start3A_7 = arith.constant 0 : i32
    %dma_start3A_8 = tpu.memref_slice %arg10[%dma_start3A_6, %dma_start3A_7] : memref<24x2048xf32, #tpu.memory_space<vmem>> -> memref<8x2048xf32, #tpu.memory_space<vmem>>
    %dma_start3A_9 = tpu.memref_slice %arg7[%add3A_5] : memref<2048xi32, #tpu.memory_space<vmem>> -> memref<8xi32, #tpu.memory_space<vmem>>
    %dma_start3A_10 = arith.constant 0 : i32
    %dma_start3A_11 = arith.constant 0 : i32
    %dma_start3A_12 = tpu.memref_slice %arg4[%dma_start3A_10, %dma_start3A_11] : memref<100000x2048xf32, #tpu.memory_space<hbm>> -> memref<100000x2048xf32, #tpu.memory_space<hbm>>
    tpu.enqueue_indirect_dma source(%dma_start3A_12 : memref<100000x2048xf32, #tpu.memory_space<hbm>>) target(%dma_start3A_8 : memref<8x2048xf32, #tpu.memory_space<vmem>>) offsets(%dma_start3A_9 : memref<8xi32, #tpu.memory_space<vmem>>) semaphore(%arg11 : memref<!tpu.dma_semaphore, #tpu.memory_space<semaphore_mem>>)
    %add3A_13 = arith.constant 8 : i32
    %add3A_14 = arith.addi %mul3A_2, %add3A_13 : i32
    %dma_start3A_15 = arith.constant 8 : i32
    %dma_start3A_16 = arith.constant 0 : i32
    %dma_start3A_17 = tpu.memref_slice %arg10[%dma_start3A_15, %dma_start3A_16] : memref<24x2048xf32, #tpu.memory_space<vmem>> -> memref<8x2048xf32, #tpu.memory_space<vmem>>
    %dma_start3A_18 = tpu.memref_slice %arg7[%add3A_14] : memref<2048xi32, #tpu.memory_space<vmem>> -> memref<8xi32, #tpu.memory_space<vmem>>
    %dma_start3A_19 = arith.constant 0 : i32
    %dma_start3A_20 = arith.constant 0 : i32
    %dma_start3A_21 = tpu.memref_slice %arg4[%dma_start3A_19, %dma_start3A_20] : memref<100000x2048xf32, #tpu.memory_space<hbm>> -> memref<100000x2048xf32, #tpu.memory_space<hbm>>
    tpu.enqueue_indirect_dma source(%dma_start3A_21 : memref<100000x2048xf32, #tpu.memory_space<hbm>>) target(%dma_start3A_17 : memref<8x2048xf32, #tpu.memory_space<vmem>>) offsets(%dma_start3A_18 : memref<8xi32, #tpu.memory_space<vmem>>) semaphore(%arg12 : memref<!tpu.dma_semaphore, #tpu.memory_space<semaphore_mem>>)
    tpu.wait_dma2 semaphore(%arg18 : memref<!tpu.dma_semaphore, #tpu.memory_space<semaphore_mem>>) src(%arg5 : memref<6144xf32, #tpu.memory_space<hbm>>) dst(%arg9 : memref<6144xf32, #tpu.memory_space<vmem>>)
    %parallel_loop3A = arith.constant 0 : i32
    %parallel_loop3A_22 = arith.constant 128 : i32
    %parallel_loop3A_23 = arith.constant 1 : i32
    scf.for %parallel_loop3A_366 = %parallel_loop3A to %parallel_loop3A_22 step %parallel_loop3A_23  : i32 {
      %parallel_loop3A_367 = arith.constant 16 : i32
      %parallel_loop3A_368 = arith.muli %parallel_loop3A_366, %parallel_loop3A_367 : i32
      %parallel_loop3A_369 = arith.index_cast %parallel_loop3A_368 : i32 to index
      %parallel_loop3A_370 = tpu.vector_load %arg7[%parallel_loop3A_369] {strides = array<i32>} : memref<2048xi32, #tpu.memory_space<vmem>>, vector<16xi32>,
      %parallel_loop3A_371 = arith.sitofp %parallel_loop3A_370 : vector<16xi32> to vector<16xf32>
      %parallel_loop3A_372 = arith.constant 16 : i32
      %parallel_loop3A_373 = arith.muli %parallel_loop3A_366, %parallel_loop3A_372 : i32
      %parallel_loop3A_374 = arith.constant 0 : i32
      %parallel_loop3A_375 = arith.addi %parallel_loop3A_374, %parallel_loop3A_373 : i32
      %parallel_loop3A_376 = arith.index_cast %parallel_loop3A_375 : i32 to index
      %parallel_loop3A_377 = tpu.vector_load %arg9[%parallel_loop3A_376] {strides = array<i32>} : memref<6144xf32, #tpu.memory_space<vmem>>, vector<16xf32>,
      %parallel_loop3A_378 = arith.addf %parallel_loop3A_377, %parallel_loop3A_371 : vector<16xf32>
      %parallel_loop3A_379 = arith.constant 16 : i32
      %parallel_loop3A_380 = arith.muli %parallel_loop3A_366, %parallel_loop3A_379 : i32
      %parallel_loop3A_381 = arith.constant 0 : i32
      %parallel_loop3A_382 = arith.addi %parallel_loop3A_381, %parallel_loop3A_380 : i32
      %parallel_loop3A_383 = arith.index_cast %parallel_loop3A_382 : i32 to index
      %parallel_loop3A_384 = tpu.vector_load %arg9[%parallel_loop3A_383] {strides = array<i32>} : memref<6144xf32, #tpu.memory_space<vmem>>, vector<16xf32>,
      tpu.vector_store %arg9[%parallel_loop3A_383], %parallel_loop3A_378 {strides = array<i32>} : memref<6144xf32, #tpu.memory_space<vmem>>, vector<16xf32>,
      %parallel_loop3A_385 = arith.constant 16 : i32
      %parallel_loop3A_386 = arith.muli %parallel_loop3A_366, %parallel_loop3A_385 : i32
      %parallel_loop3A_387 = arith.constant 2048 : i32
      %parallel_loop3A_388 = arith.addi %parallel_loop3A_387, %parallel_loop3A_386 : i32
      %parallel_loop3A_389 = arith.index_cast %parallel_loop3A_388 : i32 to index
      %parallel_loop3A_390 = tpu.vector_load %arg9[%parallel_loop3A_389] {strides = array<i32>} : memref<6144xf32, #tpu.memory_space<vmem>>, vector<16xf32>,
      %parallel_loop3A_391 = arith.addf %parallel_loop3A_390, %parallel_loop3A_371 : vector<16xf32>
      %parallel_loop3A_392 = arith.constant 16 : i32
      %parallel_loop3A_393 = arith.muli %parallel_loop3A_366, %parallel_loop3A_392 : i32
      %parallel_loop3A_394 = arith.constant 2048 : i32
      %parallel_loop3A_395 = arith.addi %parallel_loop3A_394, %parallel_loop3A_393 : i32
      %parallel_loop3A_396 = arith.index_cast %parallel_loop3A_395 : i32 to index
      %parallel_loop3A_397 = tpu.vector_load %arg9[%parallel_loop3A_396] {strides = array<i32>} : memref<6144xf32, #tpu.memory_space<vmem>>, vector<16xf32>,
      tpu.vector_store %arg9[%parallel_loop3A_396], %parallel_loop3A_391 {strides = array<i32>} : memref<6144xf32, #tpu.memory_space<vmem>>, vector<16xf32>,
      %parallel_loop3A_398 = arith.constant 16 : i32
      %parallel_loop3A_399 = arith.muli %parallel_loop3A_366, %parallel_loop3A_398 : i32
      %parallel_loop3A_400 = arith.constant 4096 : i32
      %parallel_loop3A_401 = arith.addi %parallel_loop3A_400, %parallel_loop3A_399 : i32
      %parallel_loop3A_402 = arith.index_cast %parallel_loop3A_401 : i32 to index
      %parallel_loop3A_403 = tpu.vector_load %arg9[%parallel_loop3A_402] {strides = array<i32>} : memref<6144xf32, #tpu.memory_space<vmem>>, vector<16xf32>,
      %parallel_loop3A_404 = arith.addf %parallel_loop3A_403, %parallel_loop3A_371 : vector<16xf32>
      %parallel_loop3A_405 = arith.constant 16 : i32
      %parallel_loop3A_406 = arith.muli %parallel_loop3A_366, %parallel_loop3A_405 : i32
      %parallel_loop3A_407 = arith.constant 4096 : i32
      %parallel_loop3A_408 = arith.addi %parallel_loop3A_407, %parallel_loop3A_406 : i32
      %parallel_loop3A_409 = arith.index_cast %parallel_loop3A_408 : i32 to index
      %parallel_loop3A_410 = tpu.vector_load %arg9[%parallel_loop3A_409] {strides = array<i32>} : memref<6144xf32, #tpu.memory_space<vmem>>, vector<16xf32>,
      tpu.vector_store %arg9[%parallel_loop3A_409], %parallel_loop3A_404 {strides = array<i32>} : memref<6144xf32, #tpu.memory_space<vmem>>, vector<16xf32>,
    } {sc.loop_unroll_factor = 4 : i64, sc.parallel_access}
    %dma_wait3A = tpu.memref_slice %arg3[%mul3A_2] : memref<2048xi32, #tpu.memory_space<hbm>> -> memref<64xi32, #tpu.memory_space<hbm>>
    %dma_wait3A_24 = tpu.memref_slice %arg3[%mul3A_2] : memref<2048xi32, #tpu.memory_space<hbm>> -> memref<64xi32, #tpu.memory_space<hbm>>
    tpu.wait_dma2 semaphore(%arg19 : memref<!tpu.dma_semaphore, #tpu.memory_space<semaphore_mem>>) src(%dma_wait3A_24 : memref<64xi32, #tpu.memory_space<hbm>>) dst(%arg8 : memref<64xi32, #tpu.memory_space<vmem>>)
    %add3A_25 = arith.constant 16 : i32
    %add3A_26 = arith.addi %mul3A_2, %add3A_25 : i32
    %dma_start3A_27 = arith.constant 16 : i32
    %dma_start3A_28 = arith.constant 0 : i32
    %dma_start3A_29 = tpu.memref_slice %arg10[%dma_start3A_27, %dma_start3A_28] : memref<24x2048xf32, #tpu.memory_space<vmem>> -> memref<8x2048xf32, #tpu.memory_space<vmem>>
    %dma_start3A_30 = tpu.memref_slice %arg7[%add3A_26] : memref<2048xi32, #tpu.memory_space<vmem>> -> memref<8xi32, #tpu.memory_space<vmem>>
    %dma_start3A_31 = arith.constant 0 : i32
    %dma_start3A_32 = arith.constant 0 : i32
    %dma_start3A_33 = tpu.memref_slice %arg4[%dma_start3A_31, %dma_start3A_32] : memref<100000x2048xf32, #tpu.memory_space<hbm>> -> memref<100000x2048xf32, #tpu.memory_space<hbm>>
    tpu.enqueue_indirect_dma source(%dma_start3A_33 : memref<100000x2048xf32, #tpu.memory_space<hbm>>) target(%dma_start3A_29 : memref<8x2048xf32, #tpu.memory_space<vmem>>) offsets(%dma_start3A_30 : memref<8xi32, #tpu.memory_space<vmem>>) semaphore(%arg13 : memref<!tpu.dma_semaphore, #tpu.memory_space<semaphore_mem>>)
    %dma_wait3A_34 = arith.constant 0 : i32
    %dma_wait3A_35 = arith.constant 0 : i32
    %dma_wait3A_36 = tpu.memref_slice %arg10[%dma_wait3A_34, %dma_wait3A_35] : memref<24x2048xf32, #tpu.memory_space<vmem>> -> memref<8x2048xf32, #tpu.memory_space<vmem>>
    %dma_wait3A_37 = tpu.memref_slice %arg7[%add3A_5] : memref<2048xi32, #tpu.memory_space<vmem>> -> memref<8xi32, #tpu.memory_space<vmem>>
    %dma_wait3A_38 = arith.constant 0 : i32
    %dma_wait3A_39 = arith.constant 0 : i32
    %dma_wait3A_40 = tpu.memref_slice %arg4[%dma_wait3A_38, %dma_wait3A_39] : memref<100000x2048xf32, #tpu.memory_space<hbm>> -> memref<100000x2048xf32, #tpu.memory_space<hbm>>
    tpu.wait_indirect_dma semaphore(%arg11 : memref<!tpu.dma_semaphore, #tpu.memory_space<semaphore_mem>>) src(%dma_wait3A_40 : memref<100000x2048xf32, #tpu.memory_space<hbm>>) dst(%dma_wait3A_36 : memref<8x2048xf32, #tpu.memory_space<vmem>>)
    %scan3A = arith.constant 0 : i32
    %scan3A_41 = arith.constant 0 : i32
    %scan3A_42 = arith.constant 8 : i32
    %scan3A_43 = arith.addi %scan3A_41, %scan3A_42 : i32
    %scan3A_44 = arith.constant 1 : i32
    %scan3A_45 = scf.for %scan3A_366 = %scan3A_41 to %scan3A_43 step %scan3A_44 iter_args(%scan3A_367 = %scan3A) -> (i32)  : i32 {
      %add3A_368 = arith.constant 0 : i32
      %add3A_369 = arith.addi %add3A_368, %scan3A_366 : i32
      %broadcast_in_dim3A = arith.constant 0 : i32
      %broadcast_in_dim3A_370 = vector.broadcast %broadcast_in_dim3A : i32 to vector<16xi32>
      %add3A_371 = vector.broadcast %add3A_369 : i32 to vector<16xi32>
      %add3A_372 = arith.addi %broadcast_in_dim3A_370, %add3A_371 : vector<16xi32>
      %gather3A = tpu.vector_load_idx %arg8[%add3A_372] : memref<64xi32, #tpu.memory_space<vmem>>[vector<16xi32>], vector<16xi32>,
      %reduce_max3A = arith.constant true
      %reduce_max3A_373 = vector.broadcast %reduce_max3A : i1 to vector<16xi1>
      %reduce_max3A_374 = arith.constant -2147483648 : i32
      %reduce_max3A_375 = vector.broadcast %reduce_max3A_374 : i32 to vector<16xi32>
      %reduce_max3A_376 = arith.xori %gather3A, %reduce_max3A_375 : vector<16xi32>
      %reduce_max3A_377 = tpu.scan <max>, %reduce_max3A_376 masked %reduce_max3A_373 : vector<16xi32>, vector<16xi1> -> vector<16xi32>
      %reduce_max3A_378 = arith.xori %reduce_max3A_377, %reduce_max3A_375 : vector<16xi32>
      %reduce_max3A_379 = vector.extract %reduce_max3A_378[15] : i32 from vector<16xi32>
      %mul3A_380 = arith.constant 2048 : i32
      %mul3A_381 = arith.muli %reduce_max3A_379, %mul3A_380 : i32
      %parallel_loop3A_382 = arith.constant 0 : i32
      %parallel_loop3A_383 = arith.constant 128 : i32
      %parallel_loop3A_384 = arith.constant 1 : i32
      scf.for %parallel_loop3A_386 = %parallel_loop3A_382 to %parallel_loop3A_383 step %parallel_loop3A_384  : i32 {
        %parallel_loop3A_387 = arith.constant 16 : i32
        %parallel_loop3A_388 = arith.muli %parallel_loop3A_386, %parallel_loop3A_387 : i32
        %parallel_loop3A_389 = arith.constant 0 : i32
        %parallel_loop3A_390 = arith.addi %parallel_loop3A_389, %scan3A_366 : i32
        %parallel_loop3A_391 = arith.index_cast %parallel_loop3A_390 : i32 to index
        %parallel_loop3A_392 = arith.index_cast %parallel_loop3A_388 : i32 to index
        %parallel_loop3A_393 = tpu.vector_load %arg10[%parallel_loop3A_391, %parallel_loop3A_392] {strides = array<i32>} : memref<24x2048xf32, #tpu.memory_space<vmem>>, vector<16xf32>,
        %parallel_loop3A_394 = arith.addi %mul3A_381, %parallel_loop3A_388 : i32
        %parallel_loop3A_395 = arith.index_cast %parallel_loop3A_394 : i32 to index
        %parallel_loop3A_396 = tpu.vector_load %arg9[%parallel_loop3A_395] {strides = array<i32>} : memref<6144xf32, #tpu.memory_space<vmem>>, vector<16xf32>,
        %parallel_loop3A_397 = arith.constant 45.2548332 : f32
        %parallel_loop3A_398 = vector.broadcast %parallel_loop3A_397 : f32 to vector<16xf32>
        %parallel_loop3A_399 = arith.mulf %parallel_loop3A_393, %parallel_loop3A_398 : vector<16xf32>
        %parallel_loop3A_400 = arith.addf %parallel_loop3A_399, %parallel_loop3A_396 : vector<16xf32>
        %parallel_loop3A_401 = arith.constant 0 : i32
        %parallel_loop3A_402 = arith.addi %parallel_loop3A_401, %scan3A_366 : i32
        %parallel_loop3A_403 = arith.index_cast %parallel_loop3A_402 : i32 to index
        %parallel_loop3A_404 = arith.index_cast %parallel_loop3A_388 : i32 to index
        %parallel_loop3A_405 = tpu.vector_load %arg10[%parallel_loop3A_403, %parallel_loop3A_404] {strides = array<i32>} : memref<24x2048xf32, #tpu.memory_space<vmem>>, vector<16xf32>,
        tpu.vector_store %arg10[%parallel_loop3A_403, %parallel_loop3A_404], %parallel_loop3A_400 {strides = array<i32>} : memref<24x2048xf32, #tpu.memory_space<vmem>>, vector<16xf32>,
      } {sc.loop_unroll_factor = 8 : i64, sc.parallel_access}
      %scan3A_385 = arith.constant 0 : i32
      scf.yield %scan3A_385 : i32
    }
    %scan3A_46 = arith.constant 8 : i32
    %add3A_47 = arith.constant 0 : i32
    %add3A_48 = arith.addi %mul3A_2, %add3A_47 : i32
    %dma_start3A_49 = arith.constant 0 : i32
    %dma_start3A_50 = arith.constant 0 : i32
    %dma_start3A_51 = tpu.memref_slice %arg10[%dma_start3A_49, %dma_start3A_50] : memref<24x2048xf32, #tpu.memory_space<vmem>> -> memref<8x2048xf32, #tpu.memory_space<vmem>>
    %dma_start3A_52 = arith.constant 0 : i32
    %dma_start3A_53 = tpu.memref_slice %arg6[%add3A_48, %dma_start3A_52] : memref<2048x2048xf32, #tpu.memory_space<hbm>> -> memref<8x2048xf32, #tpu.memory_space<hbm>>
    %dma_start3A_54 = arith.constant 0 : i32
    %dma_start3A_55 = tpu.memref_slice %arg6[%add3A_48, %dma_start3A_54] : memref<2048x2048xf32, #tpu.memory_space<hbm>> -> memref<8x2048xf32, #tpu.memory_space<hbm>>
    %dma_start3A_56 = arith.constant 0 : i32
    %dma_start3A_57 = arith.constant 0 : i32
    %dma_start3A_58 = tpu.memref_slice %arg10[%dma_start3A_56, %dma_start3A_57] : memref<24x2048xf32, #tpu.memory_space<vmem>> -> memref<8x2048xf32, #tpu.memory_space<vmem>>
    tpu.enqueue_dma source(%dma_start3A_58 : memref<8x2048xf32, #tpu.memory_space<vmem>>) target(%dma_start3A_55 : memref<8x2048xf32, #tpu.memory_space<hbm>>) target_semaphore(%arg14 : memref<!tpu.dma_semaphore, #tpu.memory_space<semaphore_mem>>)
    %dma_wait3A_59 = arith.constant 0 : i32
    %dma_wait3A_60 = arith.constant 0 : i32
    %dma_wait3A_61 = tpu.memref_slice %arg10[%dma_wait3A_59, %dma_wait3A_60] : memref<24x2048xf32, #tpu.memory_space<vmem>> -> memref<8x2048xf32, #tpu.memory_space<vmem>>
    %dma_wait3A_62 = arith.constant 0 : i32
    %dma_wait3A_63 = tpu.memref_slice %arg6[%add3A_48, %dma_wait3A_62] : memref<2048x2048xf32, #tpu.memory_space<hbm>> -> memref<8x2048xf32, #tpu.memory_space<hbm>>
    %dma_wait3A_64 = arith.constant 0 : i32
    %dma_wait3A_65 = tpu.memref_slice %arg6[%add3A_48, %dma_wait3A_64] : memref<2048x2048xf32, #tpu.memory_space<hbm>> -> memref<8x2048xf32, #tpu.memory_space<hbm>>
    %dma_wait3A_66 = arith.constant 0 : i32
    %dma_wait3A_67 = arith.constant 0 : i32
    %dma_wait3A_68 = tpu.memref_slice %arg10[%dma_wait3A_66, %dma_wait3A_67] : memref<24x2048xf32, #tpu.memory_space<vmem>> -> memref<8x2048xf32, #tpu.memory_space<vmem>>
    tpu.wait_dma2 semaphore(%arg14 : memref<!tpu.dma_semaphore, #tpu.memory_space<semaphore_mem>>) src(%dma_wait3A_68 : memref<8x2048xf32, #tpu.memory_space<vmem>>) dst(%dma_wait3A_65 : memref<8x2048xf32, #tpu.memory_space<hbm>>)
    %add3A_69 = arith.constant 24 : i32
    %add3A_70 = arith.addi %mul3A_2, %add3A_69 : i32
    %dma_start3A_71 = arith.constant 0 : i32
    %dma_start3A_72 = arith.constant 0 : i32
    %dma_start3A_73 = tpu.memref_slice %arg10[%dma_start3A_71, %dma_start3A_72] : memref<24x2048xf32, #tpu.memory_space<vmem>> -> memref<8x2048xf32, #tpu.memory_space<vmem>>
    %dma_start3A_74 = tpu.memref_slice %arg7[%add3A_70] : memref<2048xi32, #tpu.memory_space<vmem>> -> memref<8xi32, #tpu.memory_space<vmem>>
    %dma_start3A_75 = arith.constant 0 : i32
    %dma_start3A_76 = arith.constant 0 : i32
    %dma_start3A_77 = tpu.memref_slice %arg4[%dma_start3A_75, %dma_start3A_76] : memref<100000x2048xf32, #tpu.memory_space<hbm>> -> memref<100000x2048xf32, #tpu.memory_space<hbm>>
    tpu.enqueue_indirect_dma source(%dma_start3A_77 : memref<100000x2048xf32, #tpu.memory_space<hbm>>) target(%dma_start3A_73 : memref<8x2048xf32, #tpu.memory_space<vmem>>) offsets(%dma_start3A_74 : memref<8xi32, #tpu.memory_space<vmem>>) semaphore(%arg11 : memref<!tpu.dma_semaphore, #tpu.memory_space<semaphore_mem>>)
    %dma_wait3A_78 = arith.constant 8 : i32
    %dma_wait3A_79 = arith.constant 0 : i32
    %dma_wait3A_80 = tpu.memref_slice %arg10[%dma_wait3A_78, %dma_wait3A_79] : memref<24x2048xf32, #tpu.memory_space<vmem>> -> memref<8x2048xf32, #tpu.memory_space<vmem>>
    %dma_wait3A_81 = tpu.memref_slice %arg7[%add3A_14] : memref<2048xi32, #tpu.memory_space<vmem>> -> memref<8xi32, #tpu.memory_space<vmem>>
    %dma_wait3A_82 = arith.constant 0 : i32
    %dma_wait3A_83 = arith.constant 0 : i32
    %dma_wait3A_84 = tpu.memref_slice %arg4[%dma_wait3A_82, %dma_wait3A_83] : memref<100000x2048xf32, #tpu.memory_space<hbm>> -> memref<100000x2048xf32, #tpu.memory_space<hbm>>
    tpu.wait_indirect_dma semaphore(%arg12 : memref<!tpu.dma_semaphore, #tpu.memory_space<semaphore_mem>>) src(%dma_wait3A_84 : memref<100000x2048xf32, #tpu.memory_space<hbm>>) dst(%dma_wait3A_80 : memref<8x2048xf32, #tpu.memory_space<vmem>>)
    %scan3A_85 = arith.constant 0 : i32
    %scan3A_86 = arith.constant 0 : i32
    %scan3A_87 = arith.constant 8 : i32
    %scan3A_88 = arith.addi %scan3A_86, %scan3A_87 : i32
    %scan3A_89 = arith.constant 1 : i32
    %scan3A_90 = scf.for %scan3A_366 = %scan3A_86 to %scan3A_88 step %scan3A_89 iter_args(%scan3A_367 = %scan3A_85) -> (i32)  : i32 {
      %add3A_368 = arith.constant 8 : i32
      %add3A_369 = arith.addi %add3A_368, %scan3A_366 : i32
      %broadcast_in_dim3A = arith.constant 0 : i32
      %broadcast_in_dim3A_370 = vector.broadcast %broadcast_in_dim3A : i32 to vector<16xi32>
      %add3A_371 = vector.broadcast %add3A_369 : i32 to vector<16xi32>
      %add3A_372 = arith.addi %broadcast_in_dim3A_370, %add3A_371 : vector<16xi32>
      %gather3A = tpu.vector_load_idx %arg8[%add3A_372] : memref<64xi32, #tpu.memory_space<vmem>>[vector<16xi32>], vector<16xi32>,
      %reduce_max3A = arith.constant true
      %reduce_max3A_373 = vector.broadcast %reduce_max3A : i1 to vector<16xi1>
      %reduce_max3A_374 = arith.constant -2147483648 : i32
      %reduce_max3A_375 = vector.broadcast %reduce_max3A_374 : i32 to vector<16xi32>
      %reduce_max3A_376 = arith.xori %gather3A, %reduce_max3A_375 : vector<16xi32>
      %reduce_max3A_377 = tpu.scan <max>, %reduce_max3A_376 masked %reduce_max3A_373 : vector<16xi32>, vector<16xi1> -> vector<16xi32>
      %reduce_max3A_378 = arith.xori %reduce_max3A_377, %reduce_max3A_375 : vector<16xi32>
      %reduce_max3A_379 = vector.extract %reduce_max3A_378[15] : i32 from vector<16xi32>
      %mul3A_380 = arith.constant 2048 : i32
      %mul3A_381 = arith.muli %reduce_max3A_379, %mul3A_380 : i32
      %parallel_loop3A_382 = arith.constant 0 : i32
      %parallel_loop3A_383 = arith.constant 128 : i32
      %parallel_loop3A_384 = arith.constant 1 : i32
      scf.for %parallel_loop3A_386 = %parallel_loop3A_382 to %parallel_loop3A_383 step %parallel_loop3A_384  : i32 {
        %parallel_loop3A_387 = arith.constant 16 : i32
        %parallel_loop3A_388 = arith.muli %parallel_loop3A_386, %parallel_loop3A_387 : i32
        %parallel_loop3A_389 = arith.constant 8 : i32
        %parallel_loop3A_390 = arith.addi %parallel_loop3A_389, %scan3A_366 : i32
        %parallel_loop3A_391 = arith.index_cast %parallel_loop3A_390 : i32 to index
        %parallel_loop3A_392 = arith.index_cast %parallel_loop3A_388 : i32 to index
        %parallel_loop3A_393 = tpu.vector_load %arg10[%parallel_loop3A_391, %parallel_loop3A_392] {strides = array<i32>} : memref<24x2048xf32, #tpu.memory_space<vmem>>, vector<16xf32>,
        %parallel_loop3A_394 = arith.addi %mul3A_381, %parallel_loop3A_388 : i32
        %parallel_loop3A_395 = arith.index_cast %parallel_loop3A_394 : i32 to index
        %parallel_loop3A_396 = tpu.vector_load %arg9[%parallel_loop3A_395] {strides = array<i32>} : memref<6144xf32, #tpu.memory_space<vmem>>, vector<16xf32>,
        %parallel_loop3A_397 = arith.constant 45.2548332 : f32
        %parallel_loop3A_398 = vector.broadcast %parallel_loop3A_397 : f32 to vector<16xf32>
        %parallel_loop3A_399 = arith.mulf %parallel_loop3A_393, %parallel_loop3A_398 : vector<16xf32>
        %parallel_loop3A_400 = arith.addf %parallel_loop3A_399, %parallel_loop3A_396 : vector<16xf32>
        %parallel_loop3A_401 = arith.constant 8 : i32
        %parallel_loop3A_402 = arith.addi %parallel_loop3A_401, %scan3A_366 : i32
        %parallel_loop3A_403 = arith.index_cast %parallel_loop3A_402 : i32 to index
        %parallel_loop3A_404 = arith.index_cast %parallel_loop3A_388 : i32 to index
        %parallel_loop3A_405 = tpu.vector_load %arg10[%parallel_loop3A_403, %parallel_loop3A_404] {strides = array<i32>} : memref<24x2048xf32, #tpu.memory_space<vmem>>, vector<16xf32>,
        tpu.vector_store %arg10[%parallel_loop3A_403, %parallel_loop3A_404], %parallel_loop3A_400 {strides = array<i32>} : memref<24x2048xf32, #tpu.memory_space<vmem>>, vector<16xf32>,
      } {sc.loop_unroll_factor = 8 : i64, sc.parallel_access}
      %scan3A_385 = arith.constant 0 : i32
      scf.yield %scan3A_385 : i32
    }
    %scan3A_91 = arith.constant 8 : i32
    %add3A_92 = arith.constant 8 : i32
    %add3A_93 = arith.addi %mul3A_2, %add3A_92 : i32
    %dma_start3A_94 = arith.constant 8 : i32
    %dma_start3A_95 = arith.constant 0 : i32
    %dma_start3A_96 = tpu.memref_slice %arg10[%dma_start3A_94, %dma_start3A_95] : memref<24x2048xf32, #tpu.memory_space<vmem>> -> memref<8x2048xf32, #tpu.memory_space<vmem>>
    %dma_start3A_97 = arith.constant 0 : i32
    %dma_start3A_98 = tpu.memref_slice %arg6[%add3A_93, %dma_start3A_97] : memref<2048x2048xf32, #tpu.memory_space<hbm>> -> memref<8x2048xf32, #tpu.memory_space<hbm>>
    %dma_start3A_99 = arith.constant 0 : i32
    %dma_start3A_100 = tpu.memref_slice %arg6[%add3A_93, %dma_start3A_99] : memref<2048x2048xf32, #tpu.memory_space<hbm>> -> memref<8x2048xf32, #tpu.memory_space<hbm>>
    %dma_start3A_101 = arith.constant 8 : i32
    %dma_start3A_102 = arith.constant 0 : i32
    %dma_start3A_103 = tpu.memref_slice %arg10[%dma_start3A_101, %dma_start3A_102] : memref<24x2048xf32, #tpu.memory_space<vmem>> -> memref<8x2048xf32, #tpu.memory_space<vmem>>
    tpu.enqueue_dma source(%dma_start3A_103 : memref<8x2048xf32, #tpu.memory_space<vmem>>) target(%dma_start3A_100 : memref<8x2048xf32, #tpu.memory_space<hbm>>) target_semaphore(%arg15 : memref<!tpu.dma_semaphore, #tpu.memory_space<semaphore_mem>>)
    %dma_wait3A_104 = arith.constant 8 : i32
    %dma_wait3A_105 = arith.constant 0 : i32
    %dma_wait3A_106 = tpu.memref_slice %arg10[%dma_wait3A_104, %dma_wait3A_105] : memref<24x2048xf32, #tpu.memory_space<vmem>> -> memref<8x2048xf32, #tpu.memory_space<vmem>>
    %dma_wait3A_107 = arith.constant 0 : i32
    %dma_wait3A_108 = tpu.memref_slice %arg6[%add3A_93, %dma_wait3A_107] : memref<2048x2048xf32, #tpu.memory_space<hbm>> -> memref<8x2048xf32, #tpu.memory_space<hbm>>
    %dma_wait3A_109 = arith.constant 0 : i32
    %dma_wait3A_110 = tpu.memref_slice %arg6[%add3A_93, %dma_wait3A_109] : memref<2048x2048xf32, #tpu.memory_space<hbm>> -> memref<8x2048xf32, #tpu.memory_space<hbm>>
    %dma_wait3A_111 = arith.constant 8 : i32
    %dma_wait3A_112 = arith.constant 0 : i32
    %dma_wait3A_113 = tpu.memref_slice %arg10[%dma_wait3A_111, %dma_wait3A_112] : memref<24x2048xf32, #tpu.memory_space<vmem>> -> memref<8x2048xf32, #tpu.memory_space<vmem>>
    tpu.wait_dma2 semaphore(%arg15 : memref<!tpu.dma_semaphore, #tpu.memory_space<semaphore_mem>>) src(%dma_wait3A_113 : memref<8x2048xf32, #tpu.memory_space<vmem>>) dst(%dma_wait3A_110 : memref<8x2048xf32, #tpu.memory_space<hbm>>)
    %add3A_114 = arith.constant 32 : i32
    %add3A_115 = arith.addi %mul3A_2, %add3A_114 : i32
    %dma_start3A_116 = arith.constant 8 : i32
    %dma_start3A_117 = arith.constant 0 : i32
    %dma_start3A_118 = tpu.memref_slice %arg10[%dma_start3A_116, %dma_start3A_117] : memref<24x2048xf32, #tpu.memory_space<vmem>> -> memref<8x2048xf32, #tpu.memory_space<vmem>>
    %dma_start3A_119 = tpu.memref_slice %arg7[%add3A_115] : memref<2048xi32, #tpu.memory_space<vmem>> -> memref<8xi32, #tpu.memory_space<vmem>>
    %dma_start3A_120 = arith.constant 0 : i32
    %dma_start3A_121 = arith.constant 0 : i32
    %dma_start3A_122 = tpu.memref_slice %arg4[%dma_start3A_120, %dma_start3A_121] : memref<100000x2048xf32, #tpu.memory_space<hbm>> -> memref<100000x2048xf32, #tpu.memory_space<hbm>>
    tpu.enqueue_indirect_dma source(%dma_start3A_122 : memref<100000x2048xf32, #tpu.memory_space<hbm>>) target(%dma_start3A_118 : memref<8x2048xf32, #tpu.memory_space<vmem>>) offsets(%dma_start3A_119 : memref<8xi32, #tpu.memory_space<vmem>>) semaphore(%arg12 : memref<!tpu.dma_semaphore, #tpu.memory_space<semaphore_mem>>)
    %dma_wait3A_123 = arith.constant 16 : i32
    %dma_wait3A_124 = arith.constant 0 : i32
    %dma_wait3A_125 = tpu.memref_slice %arg10[%dma_wait3A_123, %dma_wait3A_124] : memref<24x2048xf32, #tpu.memory_space<vmem>> -> memref<8x2048xf32, #tpu.memory_space<vmem>>
    %dma_wait3A_126 = tpu.memref_slice %arg7[%add3A_26] : memref<2048xi32, #tpu.memory_space<vmem>> -> memref<8xi32, #tpu.memory_space<vmem>>
    %dma_wait3A_127 = arith.constant 0 : i32
    %dma_wait3A_128 = arith.constant 0 : i32
    %dma_wait3A_129 = tpu.memref_slice %arg4[%dma_wait3A_127, %dma_wait3A_128] : memref<100000x2048xf32, #tpu.memory_space<hbm>> -> memref<100000x2048xf32, #tpu.memory_space<hbm>>
    tpu.wait_indirect_dma semaphore(%arg13 : memref<!tpu.dma_semaphore, #tpu.memory_space<semaphore_mem>>) src(%dma_wait3A_129 : memref<100000x2048xf32, #tpu.memory_space<hbm>>) dst(%dma_wait3A_125 : memref<8x2048xf32, #tpu.memory_space<vmem>>)
    %scan3A_130 = arith.constant 0 : i32
    %scan3A_131 = arith.constant 0 : i32
    %scan3A_132 = arith.constant 8 : i32
    %scan3A_133 = arith.addi %scan3A_131, %scan3A_132 : i32
    %scan3A_134 = arith.constant 1 : i32
    %scan3A_135 = scf.for %scan3A_366 = %scan3A_131 to %scan3A_133 step %scan3A_134 iter_args(%scan3A_367 = %scan3A_130) -> (i32)  : i32 {
      %add3A_368 = arith.constant 16 : i32
      %add3A_369 = arith.addi %add3A_368, %scan3A_366 : i32
      %broadcast_in_dim3A = arith.constant 0 : i32
      %broadcast_in_dim3A_370 = vector.broadcast %broadcast_in_dim3A : i32 to vector<16xi32>
      %add3A_371 = vector.broadcast %add3A_369 : i32 to vector<16xi32>
      %add3A_372 = arith.addi %broadcast_in_dim3A_370, %add3A_371 : vector<16xi32>
      %gather3A = tpu.vector_load_idx %arg8[%add3A_372] : memref<64xi32, #tpu.memory_space<vmem>>[vector<16xi32>], vector<16xi32>,
      %reduce_max3A = arith.constant true
      %reduce_max3A_373 = vector.broadcast %reduce_max3A : i1 to vector<16xi1>
      %reduce_max3A_374 = arith.constant -2147483648 : i32
      %reduce_max3A_375 = vector.broadcast %reduce_max3A_374 : i32 to vector<16xi32>
      %reduce_max3A_376 = arith.xori %gather3A, %reduce_max3A_375 : vector<16xi32>
      %reduce_max3A_377 = tpu.scan <max>, %reduce_max3A_376 masked %reduce_max3A_373 : vector<16xi32>, vector<16xi1> -> vector<16xi32>
      %reduce_max3A_378 = arith.xori %reduce_max3A_377, %reduce_max3A_375 : vector<16xi32>
      %reduce_max3A_379 = vector.extract %reduce_max3A_378[15] : i32 from vector<16xi32>
      %mul3A_380 = arith.constant 2048 : i32
      %mul3A_381 = arith.muli %reduce_max3A_379, %mul3A_380 : i32
      %parallel_loop3A_382 = arith.constant 0 : i32
      %parallel_loop3A_383 = arith.constant 128 : i32
      %parallel_loop3A_384 = arith.constant 1 : i32
      scf.for %parallel_loop3A_386 = %parallel_loop3A_382 to %parallel_loop3A_383 step %parallel_loop3A_384  : i32 {
        %parallel_loop3A_387 = arith.constant 16 : i32
        %parallel_loop3A_388 = arith.muli %parallel_loop3A_386, %parallel_loop3A_387 : i32
        %parallel_loop3A_389 = arith.constant 16 : i32
        %parallel_loop3A_390 = arith.addi %parallel_loop3A_389, %scan3A_366 : i32
        %parallel_loop3A_391 = arith.index_cast %parallel_loop3A_390 : i32 to index
        %parallel_loop3A_392 = arith.index_cast %parallel_loop3A_388 : i32 to index
        %parallel_loop3A_393 = tpu.vector_load %arg10[%parallel_loop3A_391, %parallel_loop3A_392] {strides = array<i32>} : memref<24x2048xf32, #tpu.memory_space<vmem>>, vector<16xf32>,
        %parallel_loop3A_394 = arith.addi %mul3A_381, %parallel_loop3A_388 : i32
        %parallel_loop3A_395 = arith.index_cast %parallel_loop3A_394 : i32 to index
        %parallel_loop3A_396 = tpu.vector_load %arg9[%parallel_loop3A_395] {strides = array<i32>} : memref<6144xf32, #tpu.memory_space<vmem>>, vector<16xf32>,
        %parallel_loop3A_397 = arith.constant 45.2548332 : f32
        %parallel_loop3A_398 = vector.broadcast %parallel_loop3A_397 : f32 to vector<16xf32>
        %parallel_loop3A_399 = arith.mulf %parallel_loop3A_393, %parallel_loop3A_398 : vector<16xf32>
        %parallel_loop3A_400 = arith.addf %parallel_loop3A_399, %parallel_loop3A_396 : vector<16xf32>
        %parallel_loop3A_401 = arith.constant 16 : i32
        %parallel_loop3A_402 = arith.addi %parallel_loop3A_401, %scan3A_366 : i32
        %parallel_loop3A_403 = arith.index_cast %parallel_loop3A_402 : i32 to index
        %parallel_loop3A_404 = arith.index_cast %parallel_loop3A_388 : i32 to index
        %parallel_loop3A_405 = tpu.vector_load %arg10[%parallel_loop3A_403, %parallel_loop3A_404] {strides = array<i32>} : memref<24x2048xf32, #tpu.memory_space<vmem>>, vector<16xf32>,
        tpu.vector_store %arg10[%parallel_loop3A_403, %parallel_loop3A_404], %parallel_loop3A_400 {strides = array<i32>} : memref<24x2048xf32, #tpu.memory_space<vmem>>, vector<16xf32>,
      } {sc.loop_unroll_factor = 8 : i64, sc.parallel_access}
      %scan3A_385 = arith.constant 0 : i32
      scf.yield %scan3A_385 : i32
    }
    %scan3A_136 = arith.constant 8 : i32
    %add3A_137 = arith.constant 16 : i32
    %add3A_138 = arith.addi %mul3A_2, %add3A_137 : i32
    %dma_start3A_139 = arith.constant 16 : i32
    %dma_start3A_140 = arith.constant 0 : i32
    %dma_start3A_141 = tpu.memref_slice %arg10[%dma_start3A_139, %dma_start3A_140] : memref<24x2048xf32, #tpu.memory_space<vmem>> -> memref<8x2048xf32, #tpu.memory_space<vmem>>
    %dma_start3A_142 = arith.constant 0 : i32
    %dma_start3A_143 = tpu.memref_slice %arg6[%add3A_138, %dma_start3A_142] : memref<2048x2048xf32, #tpu.memory_space<hbm>> -> memref<8x2048xf32, #tpu.memory_space<hbm>>
    %dma_start3A_144 = arith.constant 0 : i32
    %dma_start3A_145 = tpu.memref_slice %arg6[%add3A_138, %dma_start3A_144] : memref<2048x2048xf32, #tpu.memory_space<hbm>> -> memref<8x2048xf32, #tpu.memory_space<hbm>>
    %dma_start3A_146 = arith.constant 16 : i32
    %dma_start3A_147 = arith.constant 0 : i32
    %dma_start3A_148 = tpu.memref_slice %arg10[%dma_start3A_146, %dma_start3A_147] : memref<24x2048xf32, #tpu.memory_space<vmem>> -> memref<8x2048xf32, #tpu.memory_space<vmem>>
    tpu.enqueue_dma source(%dma_start3A_148 : memref<8x2048xf32, #tpu.memory_space<vmem>>) target(%dma_start3A_145 : memref<8x2048xf32, #tpu.memory_space<hbm>>) target_semaphore(%arg16 : memref<!tpu.dma_semaphore, #tpu.memory_space<semaphore_mem>>)
    %dma_wait3A_149 = arith.constant 16 : i32
    %dma_wait3A_150 = arith.constant 0 : i32
    %dma_wait3A_151 = tpu.memref_slice %arg10[%dma_wait3A_149, %dma_wait3A_150] : memref<24x2048xf32, #tpu.memory_space<vmem>> -> memref<8x2048xf32, #tpu.memory_space<vmem>>
    %dma_wait3A_152 = arith.constant 0 : i32
    %dma_wait3A_153 = tpu.memref_slice %arg6[%add3A_138, %dma_wait3A_152] : memref<2048x2048xf32, #tpu.memory_space<hbm>> -> memref<8x2048xf32, #tpu.memory_space<hbm>>
    %dma_wait3A_154 = arith.constant 0 : i32
    %dma_wait3A_155 = tpu.memref_slice %arg6[%add3A_138, %dma_wait3A_154] : memref<2048x2048xf32, #tpu.memory_space<hbm>> -> memref<8x2048xf32, #tpu.memory_space<hbm>>
    %dma_wait3A_156 = arith.constant 16 : i32
    %dma_wait3A_157 = arith.constant 0 : i32
    %dma_wait3A_158 = tpu.memref_slice %arg10[%dma_wait3A_156, %dma_wait3A_157] : memref<24x2048xf32, #tpu.memory_space<vmem>> -> memref<8x2048xf32, #tpu.memory_space<vmem>>
    tpu.wait_dma2 semaphore(%arg16 : memref<!tpu.dma_semaphore, #tpu.memory_space<semaphore_mem>>) src(%dma_wait3A_158 : memref<8x2048xf32, #tpu.memory_space<vmem>>) dst(%dma_wait3A_155 : memref<8x2048xf32, #tpu.memory_space<hbm>>)
    %add3A_159 = arith.constant 40 : i32
    %add3A_160 = arith.addi %mul3A_2, %add3A_159 : i32
    %dma_start3A_161 = arith.constant 16 : i32
    %dma_start3A_162 = arith.constant 0 : i32
    %dma_start3A_163 = tpu.memref_slice %arg10[%dma_start3A_161, %dma_start3A_162] : memref<24x2048xf32, #tpu.memory_space<vmem>> -> memref<8x2048xf32, #tpu.memory_space<vmem>>
    %dma_start3A_164 = tpu.memref_slice %arg7[%add3A_160] : memref<2048xi32, #tpu.memory_space<vmem>> -> memref<8xi32, #tpu.memory_space<vmem>>
    %dma_start3A_165 = arith.constant 0 : i32
    %dma_start3A_166 = arith.constant 0 : i32
    %dma_start3A_167 = tpu.memref_slice %arg4[%dma_start3A_165, %dma_start3A_166] : memref<100000x2048xf32, #tpu.memory_space<hbm>> -> memref<100000x2048xf32, #tpu.memory_space<hbm>>
    tpu.enqueue_indirect_dma source(%dma_start3A_167 : memref<100000x2048xf32, #tpu.memory_space<hbm>>) target(%dma_start3A_163 : memref<8x2048xf32, #tpu.memory_space<vmem>>) offsets(%dma_start3A_164 : memref<8xi32, #tpu.memory_space<vmem>>) semaphore(%arg13 : memref<!tpu.dma_semaphore, #tpu.memory_space<semaphore_mem>>)
    %dma_wait3A_168 = arith.constant 0 : i32
    %dma_wait3A_169 = arith.constant 0 : i32
    %dma_wait3A_170 = tpu.memref_slice %arg10[%dma_wait3A_168, %dma_wait3A_169] : memref<24x2048xf32, #tpu.memory_space<vmem>> -> memref<8x2048xf32, #tpu.memory_space<vmem>>
    %dma_wait3A_171 = tpu.memref_slice %arg7[%add3A_70] : memref<2048xi32, #tpu.memory_space<vmem>> -> memref<8xi32, #tpu.memory_space<vmem>>
    %dma_wait3A_172 = arith.constant 0 : i32
    %dma_wait3A_173 = arith.constant 0 : i32
    %dma_wait3A_174 = tpu.memref_slice %arg4[%dma_wait3A_172, %dma_wait3A_173] : memref<100000x2048xf32, #tpu.memory_space<hbm>> -> memref<100000x2048xf32, #tpu.memory_space<hbm>>
    tpu.wait_indirect_dma semaphore(%arg11 : memref<!tpu.dma_semaphore, #tpu.memory_space<semaphore_mem>>) src(%dma_wait3A_174 : memref<100000x2048xf32, #tpu.memory_space<hbm>>) dst(%dma_wait3A_170 : memref<8x2048xf32, #tpu.memory_space<vmem>>)
    %scan3A_175 = arith.constant 0 : i32
    %scan3A_176 = arith.constant 0 : i32
    %scan3A_177 = arith.constant 8 : i32
    %scan3A_178 = arith.addi %scan3A_176, %scan3A_177 : i32
    %scan3A_179 = arith.constant 1 : i32
    %scan3A_180 = scf.for %scan3A_366 = %scan3A_176 to %scan3A_178 step %scan3A_179 iter_args(%scan3A_367 = %scan3A_175) -> (i32)  : i32 {
      %add3A_368 = arith.constant 24 : i32
      %add3A_369 = arith.addi %add3A_368, %scan3A_366 : i32
      %broadcast_in_dim3A = arith.constant 0 : i32
      %broadcast_in_dim3A_370 = vector.broadcast %broadcast_in_dim3A : i32 to vector<16xi32>
      %add3A_371 = vector.broadcast %add3A_369 : i32 to vector<16xi32>
      %add3A_372 = arith.addi %broadcast_in_dim3A_370, %add3A_371 : vector<16xi32>
      %gather3A = tpu.vector_load_idx %arg8[%add3A_372] : memref<64xi32, #tpu.memory_space<vmem>>[vector<16xi32>], vector<16xi32>,
      %reduce_max3A = arith.constant true
      %reduce_max3A_373 = vector.broadcast %reduce_max3A : i1 to vector<16xi1>
      %reduce_max3A_374 = arith.constant -2147483648 : i32
      %reduce_max3A_375 = vector.broadcast %reduce_max3A_374 : i32 to vector<16xi32>
      %reduce_max3A_376 = arith.xori %gather3A, %reduce_max3A_375 : vector<16xi32>
      %reduce_max3A_377 = tpu.scan <max>, %reduce_max3A_376 masked %reduce_max3A_373 : vector<16xi32>, vector<16xi1> -> vector<16xi32>
      %reduce_max3A_378 = arith.xori %reduce_max3A_377, %reduce_max3A_375 : vector<16xi32>
      %reduce_max3A_379 = vector.extract %reduce_max3A_378[15] : i32 from vector<16xi32>
      %mul3A_380 = arith.constant 2048 : i32
      %mul3A_381 = arith.muli %reduce_max3A_379, %mul3A_380 : i32
      %parallel_loop3A_382 = arith.constant 0 : i32
      %parallel_loop3A_383 = arith.constant 128 : i32
      %parallel_loop3A_384 = arith.constant 1 : i32
      scf.for %parallel_loop3A_386 = %parallel_loop3A_382 to %parallel_loop3A_383 step %parallel_loop3A_384  : i32 {
        %parallel_loop3A_387 = arith.constant 16 : i32
        %parallel_loop3A_388 = arith.muli %parallel_loop3A_386, %parallel_loop3A_387 : i32
        %parallel_loop3A_389 = arith.constant 0 : i32
        %parallel_loop3A_390 = arith.addi %parallel_loop3A_389, %scan3A_366 : i32
        %parallel_loop3A_391 = arith.index_cast %parallel_loop3A_390 : i32 to index
        %parallel_loop3A_392 = arith.index_cast %parallel_loop3A_388 : i32 to index
        %parallel_loop3A_393 = tpu.vector_load %arg10[%parallel_loop3A_391, %parallel_loop3A_392] {strides = array<i32>} : memref<24x2048xf32, #tpu.memory_space<vmem>>, vector<16xf32>,
        %parallel_loop3A_394 = arith.addi %mul3A_381, %parallel_loop3A_388 : i32
        %parallel_loop3A_395 = arith.index_cast %parallel_loop3A_394 : i32 to index
        %parallel_loop3A_396 = tpu.vector_load %arg9[%parallel_loop3A_395] {strides = array<i32>} : memref<6144xf32, #tpu.memory_space<vmem>>, vector<16xf32>,
        %parallel_loop3A_397 = arith.constant 45.2548332 : f32
        %parallel_loop3A_398 = vector.broadcast %parallel_loop3A_397 : f32 to vector<16xf32>
        %parallel_loop3A_399 = arith.mulf %parallel_loop3A_393, %parallel_loop3A_398 : vector<16xf32>
        %parallel_loop3A_400 = arith.addf %parallel_loop3A_399, %parallel_loop3A_396 : vector<16xf32>
        %parallel_loop3A_401 = arith.constant 0 : i32
        %parallel_loop3A_402 = arith.addi %parallel_loop3A_401, %scan3A_366 : i32
        %parallel_loop3A_403 = arith.index_cast %parallel_loop3A_402 : i32 to index
        %parallel_loop3A_404 = arith.index_cast %parallel_loop3A_388 : i32 to index
        %parallel_loop3A_405 = tpu.vector_load %arg10[%parallel_loop3A_403, %parallel_loop3A_404] {strides = array<i32>} : memref<24x2048xf32, #tpu.memory_space<vmem>>, vector<16xf32>,
        tpu.vector_store %arg10[%parallel_loop3A_403, %parallel_loop3A_404], %parallel_loop3A_400 {strides = array<i32>} : memref<24x2048xf32, #tpu.memory_space<vmem>>, vector<16xf32>,
      } {sc.loop_unroll_factor = 8 : i64, sc.parallel_access}
      %scan3A_385 = arith.constant 0 : i32
      scf.yield %scan3A_385 : i32
    }
    %scan3A_181 = arith.constant 8 : i32
    %add3A_182 = arith.constant 24 : i32
    %add3A_183 = arith.addi %mul3A_2, %add3A_182 : i32
    %dma_start3A_184 = arith.constant 0 : i32
    %dma_start3A_185 = arith.constant 0 : i32
    %dma_start3A_186 = tpu.memref_slice %arg10[%dma_start3A_184, %dma_start3A_185] : memref<24x2048xf32, #tpu.memory_space<vmem>> -> memref<8x2048xf32, #tpu.memory_space<vmem>>
    %dma_start3A_187 = arith.constant 0 : i32
    %dma_start3A_188 = tpu.memref_slice %arg6[%add3A_183, %dma_start3A_187] : memref<2048x2048xf32, #tpu.memory_space<hbm>> -> memref<8x2048xf32, #tpu.memory_space<hbm>>
    %dma_start3A_189 = arith.constant 0 : i32
    %dma_start3A_190 = tpu.memref_slice %arg6[%add3A_183, %dma_start3A_189] : memref<2048x2048xf32, #tpu.memory_space<hbm>> -> memref<8x2048xf32, #tpu.memory_space<hbm>>
    %dma_start3A_191 = arith.constant 0 : i32
    %dma_start3A_192 = arith.constant 0 : i32
    %dma_start3A_193 = tpu.memref_slice %arg10[%dma_start3A_191, %dma_start3A_192] : memref<24x2048xf32, #tpu.memory_space<vmem>> -> memref<8x2048xf32, #tpu.memory_space<vmem>>
    tpu.enqueue_dma source(%dma_start3A_193 : memref<8x2048xf32, #tpu.memory_space<vmem>>) target(%dma_start3A_190 : memref<8x2048xf32, #tpu.memory_space<hbm>>) target_semaphore(%arg14 : memref<!tpu.dma_semaphore, #tpu.memory_space<semaphore_mem>>)
    %dma_wait3A_194 = arith.constant 0 : i32
    %dma_wait3A_195 = arith.constant 0 : i32
    %dma_wait3A_196 = tpu.memref_slice %arg10[%dma_wait3A_194, %dma_wait3A_195] : memref<24x2048xf32, #tpu.memory_space<vmem>> -> memref<8x2048xf32, #tpu.memory_space<vmem>>
    %dma_wait3A_197 = arith.constant 0 : i32
    %dma_wait3A_198 = tpu.memref_slice %arg6[%add3A_183, %dma_wait3A_197] : memref<2048x2048xf32, #tpu.memory_space<hbm>> -> memref<8x2048xf32, #tpu.memory_space<hbm>>
    %dma_wait3A_199 = arith.constant 0 : i32
    %dma_wait3A_200 = tpu.memref_slice %arg6[%add3A_183, %dma_wait3A_199] : memref<2048x2048xf32, #tpu.memory_space<hbm>> -> memref<8x2048xf32, #tpu.memory_space<hbm>>
    %dma_wait3A_201 = arith.constant 0 : i32
    %dma_wait3A_202 = arith.constant 0 : i32
    %dma_wait3A_203 = tpu.memref_slice %arg10[%dma_wait3A_201, %dma_wait3A_202] : memref<24x2048xf32, #tpu.memory_space<vmem>> -> memref<8x2048xf32, #tpu.memory_space<vmem>>
    tpu.wait_dma2 semaphore(%arg14 : memref<!tpu.dma_semaphore, #tpu.memory_space<semaphore_mem>>) src(%dma_wait3A_203 : memref<8x2048xf32, #tpu.memory_space<vmem>>) dst(%dma_wait3A_200 : memref<8x2048xf32, #tpu.memory_space<hbm>>)
    %add3A_204 = arith.constant 48 : i32
    %add3A_205 = arith.addi %mul3A_2, %add3A_204 : i32
    %dma_start3A_206 = arith.constant 0 : i32
    %dma_start3A_207 = arith.constant 0 : i32
    %dma_start3A_208 = tpu.memref_slice %arg10[%dma_start3A_206, %dma_start3A_207] : memref<24x2048xf32, #tpu.memory_space<vmem>> -> memref<8x2048xf32, #tpu.memory_space<vmem>>
    %dma_start3A_209 = tpu.memref_slice %arg7[%add3A_205] : memref<2048xi32, #tpu.memory_space<vmem>> -> memref<8xi32, #tpu.memory_space<vmem>>
    %dma_start3A_210 = arith.constant 0 : i32
    %dma_start3A_211 = arith.constant 0 : i32
    %dma_start3A_212 = tpu.memref_slice %arg4[%dma_start3A_210, %dma_start3A_211] : memref<100000x2048xf32, #tpu.memory_space<hbm>> -> memref<100000x2048xf32, #tpu.memory_space<hbm>>
    tpu.enqueue_indirect_dma source(%dma_start3A_212 : memref<100000x2048xf32, #tpu.memory_space<hbm>>) target(%dma_start3A_208 : memref<8x2048xf32, #tpu.memory_space<vmem>>) offsets(%dma_start3A_209 : memref<8xi32, #tpu.memory_space<vmem>>) semaphore(%arg11 : memref<!tpu.dma_semaphore, #tpu.memory_space<semaphore_mem>>)
    %dma_wait3A_213 = arith.constant 8 : i32
    %dma_wait3A_214 = arith.constant 0 : i32
    %dma_wait3A_215 = tpu.memref_slice %arg10[%dma_wait3A_213, %dma_wait3A_214] : memref<24x2048xf32, #tpu.memory_space<vmem>> -> memref<8x2048xf32, #tpu.memory_space<vmem>>
    %dma_wait3A_216 = tpu.memref_slice %arg7[%add3A_115] : memref<2048xi32, #tpu.memory_space<vmem>> -> memref<8xi32, #tpu.memory_space<vmem>>
    %dma_wait3A_217 = arith.constant 0 : i32
    %dma_wait3A_218 = arith.constant 0 : i32
    %dma_wait3A_219 = tpu.memref_slice %arg4[%dma_wait3A_217, %dma_wait3A_218] : memref<100000x2048xf32, #tpu.memory_space<hbm>> -> memref<100000x2048xf32, #tpu.memory_space<hbm>>
    tpu.wait_indirect_dma semaphore(%arg12 : memref<!tpu.dma_semaphore, #tpu.memory_space<semaphore_mem>>) src(%dma_wait3A_219 : memref<100000x2048xf32, #tpu.memory_space<hbm>>) dst(%dma_wait3A_215 : memref<8x2048xf32, #tpu.memory_space<vmem>>)
    %scan3A_220 = arith.constant 0 : i32
    %scan3A_221 = arith.constant 0 : i32
    %scan3A_222 = arith.constant 8 : i32
    %scan3A_223 = arith.addi %scan3A_221, %scan3A_222 : i32
    %scan3A_224 = arith.constant 1 : i32
    %scan3A_225 = scf.for %scan3A_366 = %scan3A_221 to %scan3A_223 step %scan3A_224 iter_args(%scan3A_367 = %scan3A_220) -> (i32)  : i32 {
      %add3A_368 = arith.constant 32 : i32
      %add3A_369 = arith.addi %add3A_368, %scan3A_366 : i32
      %broadcast_in_dim3A = arith.constant 0 : i32
      %broadcast_in_dim3A_370 = vector.broadcast %broadcast_in_dim3A : i32 to vector<16xi32>
      %add3A_371 = vector.broadcast %add3A_369 : i32 to vector<16xi32>
      %add3A_372 = arith.addi %broadcast_in_dim3A_370, %add3A_371 : vector<16xi32>
      %gather3A = tpu.vector_load_idx %arg8[%add3A_372] : memref<64xi32, #tpu.memory_space<vmem>>[vector<16xi32>], vector<16xi32>,
      %reduce_max3A = arith.constant true
      %reduce_max3A_373 = vector.broadcast %reduce_max3A : i1 to vector<16xi1>
      %reduce_max3A_374 = arith.constant -2147483648 : i32
      %reduce_max3A_375 = vector.broadcast %reduce_max3A_374 : i32 to vector<16xi32>
      %reduce_max3A_376 = arith.xori %gather3A, %reduce_max3A_375 : vector<16xi32>
      %reduce_max3A_377 = tpu.scan <max>, %reduce_max3A_376 masked %reduce_max3A_373 : vector<16xi32>, vector<16xi1> -> vector<16xi32>
      %reduce_max3A_378 = arith.xori %reduce_max3A_377, %reduce_max3A_375 : vector<16xi32>
      %reduce_max3A_379 = vector.extract %reduce_max3A_378[15] : i32 from vector<16xi32>
      %mul3A_380 = arith.constant 2048 : i32
      %mul3A_381 = arith.muli %reduce_max3A_379, %mul3A_380 : i32
      %parallel_loop3A_382 = arith.constant 0 : i32
      %parallel_loop3A_383 = arith.constant 128 : i32
      %parallel_loop3A_384 = arith.constant 1 : i32
      scf.for %parallel_loop3A_386 = %parallel_loop3A_382 to %parallel_loop3A_383 step %parallel_loop3A_384  : i32 {
        %parallel_loop3A_387 = arith.constant 16 : i32
        %parallel_loop3A_388 = arith.muli %parallel_loop3A_386, %parallel_loop3A_387 : i32
        %parallel_loop3A_389 = arith.constant 8 : i32
        %parallel_loop3A_390 = arith.addi %parallel_loop3A_389, %scan3A_366 : i32
        %parallel_loop3A_391 = arith.index_cast %parallel_loop3A_390 : i32 to index
        %parallel_loop3A_392 = arith.index_cast %parallel_loop3A_388 : i32 to index
        %parallel_loop3A_393 = tpu.vector_load %arg10[%parallel_loop3A_391, %parallel_loop3A_392] {strides = array<i32>} : memref<24x2048xf32, #tpu.memory_space<vmem>>, vector<16xf32>,
        %parallel_loop3A_394 = arith.addi %mul3A_381, %parallel_loop3A_388 : i32
        %parallel_loop3A_395 = arith.index_cast %parallel_loop3A_394 : i32 to index
        %parallel_loop3A_396 = tpu.vector_load %arg9[%parallel_loop3A_395] {strides = array<i32>} : memref<6144xf32, #tpu.memory_space<vmem>>, vector<16xf32>,
        %parallel_loop3A_397 = arith.constant 45.2548332 : f32
        %parallel_loop3A_398 = vector.broadcast %parallel_loop3A_397 : f32 to vector<16xf32>
        %parallel_loop3A_399 = arith.mulf %parallel_loop3A_393, %parallel_loop3A_398 : vector<16xf32>
        %parallel_loop3A_400 = arith.addf %parallel_loop3A_399, %parallel_loop3A_396 : vector<16xf32>
        %parallel_loop3A_401 = arith.constant 8 : i32
        %parallel_loop3A_402 = arith.addi %parallel_loop3A_401, %scan3A_366 : i32
        %parallel_loop3A_403 = arith.index_cast %parallel_loop3A_402 : i32 to index
        %parallel_loop3A_404 = arith.index_cast %parallel_loop3A_388 : i32 to index
        %parallel_loop3A_405 = tpu.vector_load %arg10[%parallel_loop3A_403, %parallel_loop3A_404] {strides = array<i32>} : memref<24x2048xf32, #tpu.memory_space<vmem>>, vector<16xf32>,
        tpu.vector_store %arg10[%parallel_loop3A_403, %parallel_loop3A_404], %parallel_loop3A_400 {strides = array<i32>} : memref<24x2048xf32, #tpu.memory_space<vmem>>, vector<16xf32>,
      } {sc.loop_unroll_factor = 8 : i64, sc.parallel_access}
      %scan3A_385 = arith.constant 0 : i32
      scf.yield %scan3A_385 : i32
    }
    %scan3A_226 = arith.constant 8 : i32
    %add3A_227 = arith.constant 32 : i32
    %add3A_228 = arith.addi %mul3A_2, %add3A_227 : i32
    %dma_start3A_229 = arith.constant 8 : i32
    %dma_start3A_230 = arith.constant 0 : i32
    %dma_start3A_231 = tpu.memref_slice %arg10[%dma_start3A_229, %dma_start3A_230] : memref<24x2048xf32, #tpu.memory_space<vmem>> -> memref<8x2048xf32, #tpu.memory_space<vmem>>
    %dma_start3A_232 = arith.constant 0 : i32
    %dma_start3A_233 = tpu.memref_slice %arg6[%add3A_228, %dma_start3A_232] : memref<2048x2048xf32, #tpu.memory_space<hbm>> -> memref<8x2048xf32, #tpu.memory_space<hbm>>
    %dma_start3A_234 = arith.constant 0 : i32
    %dma_start3A_235 = tpu.memref_slice %arg6[%add3A_228, %dma_start3A_234] : memref<2048x2048xf32, #tpu.memory_space<hbm>> -> memref<8x2048xf32, #tpu.memory_space<hbm>>
    %dma_start3A_236 = arith.constant 8 : i32
    %dma_start3A_237 = arith.constant 0 : i32
    %dma_start3A_238 = tpu.memref_slice %arg10[%dma_start3A_236, %dma_start3A_237] : memref<24x2048xf32, #tpu.memory_space<vmem>> -> memref<8x2048xf32, #tpu.memory_space<vmem>>
    tpu.enqueue_dma source(%dma_start3A_238 : memref<8x2048xf32, #tpu.memory_space<vmem>>) target(%dma_start3A_235 : memref<8x2048xf32, #tpu.memory_space<hbm>>) target_semaphore(%arg15 : memref<!tpu.dma_semaphore, #tpu.memory_space<semaphore_mem>>)
    %dma_wait3A_239 = arith.constant 8 : i32
    %dma_wait3A_240 = arith.constant 0 : i32
    %dma_wait3A_241 = tpu.memref_slice %arg10[%dma_wait3A_239, %dma_wait3A_240] : memref<24x2048xf32, #tpu.memory_space<vmem>> -> memref<8x2048xf32, #tpu.memory_space<vmem>>
    %dma_wait3A_242 = arith.constant 0 : i32
    %dma_wait3A_243 = tpu.memref_slice %arg6[%add3A_228, %dma_wait3A_242] : memref<2048x2048xf32, #tpu.memory_space<hbm>> -> memref<8x2048xf32, #tpu.memory_space<hbm>>
    %dma_wait3A_244 = arith.constant 0 : i32
    %dma_wait3A_245 = tpu.memref_slice %arg6[%add3A_228, %dma_wait3A_244] : memref<2048x2048xf32, #tpu.memory_space<hbm>> -> memref<8x2048xf32, #tpu.memory_space<hbm>>
    %dma_wait3A_246 = arith.constant 8 : i32
    %dma_wait3A_247 = arith.constant 0 : i32
    %dma_wait3A_248 = tpu.memref_slice %arg10[%dma_wait3A_246, %dma_wait3A_247] : memref<24x2048xf32, #tpu.memory_space<vmem>> -> memref<8x2048xf32, #tpu.memory_space<vmem>>
    tpu.wait_dma2 semaphore(%arg15 : memref<!tpu.dma_semaphore, #tpu.memory_space<semaphore_mem>>) src(%dma_wait3A_248 : memref<8x2048xf32, #tpu.memory_space<vmem>>) dst(%dma_wait3A_245 : memref<8x2048xf32, #tpu.memory_space<hbm>>)
    %add3A_249 = arith.constant 56 : i32
    %add3A_250 = arith.addi %mul3A_2, %add3A_249 : i32
    %dma_start3A_251 = arith.constant 8 : i32
    %dma_start3A_252 = arith.constant 0 : i32
    %dma_start3A_253 = tpu.memref_slice %arg10[%dma_start3A_251, %dma_start3A_252] : memref<24x2048xf32, #tpu.memory_space<vmem>> -> memref<8x2048xf32, #tpu.memory_space<vmem>>
    %dma_start3A_254 = tpu.memref_slice %arg7[%add3A_250] : memref<2048xi32, #tpu.memory_space<vmem>> -> memref<8xi32, #tpu.memory_space<vmem>>
    %dma_start3A_255 = arith.constant 0 : i32
    %dma_start3A_256 = arith.constant 0 : i32
    %dma_start3A_257 = tpu.memref_slice %arg4[%dma_start3A_255, %dma_start3A_256] : memref<100000x2048xf32, #tpu.memory_space<hbm>> -> memref<100000x2048xf32, #tpu.memory_space<hbm>>
    tpu.enqueue_indirect_dma source(%dma_start3A_257 : memref<100000x2048xf32, #tpu.memory_space<hbm>>) target(%dma_start3A_253 : memref<8x2048xf32, #tpu.memory_space<vmem>>) offsets(%dma_start3A_254 : memref<8xi32, #tpu.memory_space<vmem>>) semaphore(%arg12 : memref<!tpu.dma_semaphore, #tpu.memory_space<semaphore_mem>>)
    %dma_wait3A_258 = arith.constant 16 : i32
    %dma_wait3A_259 = arith.constant 0 : i32
    %dma_wait3A_260 = tpu.memref_slice %arg10[%dma_wait3A_258, %dma_wait3A_259] : memref<24x2048xf32, #tpu.memory_space<vmem>> -> memref<8x2048xf32, #tpu.memory_space<vmem>>
    %dma_wait3A_261 = tpu.memref_slice %arg7[%add3A_160] : memref<2048xi32, #tpu.memory_space<vmem>> -> memref<8xi32, #tpu.memory_space<vmem>>
    %dma_wait3A_262 = arith.constant 0 : i32
    %dma_wait3A_263 = arith.constant 0 : i32
    %dma_wait3A_264 = tpu.memref_slice %arg4[%dma_wait3A_262, %dma_wait3A_263] : memref<100000x2048xf32, #tpu.memory_space<hbm>> -> memref<100000x2048xf32, #tpu.memory_space<hbm>>
    tpu.wait_indirect_dma semaphore(%arg13 : memref<!tpu.dma_semaphore, #tpu.memory_space<semaphore_mem>>) src(%dma_wait3A_264 : memref<100000x2048xf32, #tpu.memory_space<hbm>>) dst(%dma_wait3A_260 : memref<8x2048xf32, #tpu.memory_space<vmem>>)
    %scan3A_265 = arith.constant 0 : i32
    %scan3A_266 = arith.constant 0 : i32
    %scan3A_267 = arith.constant 8 : i32
    %scan3A_268 = arith.addi %scan3A_266, %scan3A_267 : i32
    %scan3A_269 = arith.constant 1 : i32
    %scan3A_270 = scf.for %scan3A_366 = %scan3A_266 to %scan3A_268 step %scan3A_269 iter_args(%scan3A_367 = %scan3A_265) -> (i32)  : i32 {
      %add3A_368 = arith.constant 40 : i32
      %add3A_369 = arith.addi %add3A_368, %scan3A_366 : i32
      %broadcast_in_dim3A = arith.constant 0 : i32
      %broadcast_in_dim3A_370 = vector.broadcast %broadcast_in_dim3A : i32 to vector<16xi32>
      %add3A_371 = vector.broadcast %add3A_369 : i32 to vector<16xi32>
      %add3A_372 = arith.addi %broadcast_in_dim3A_370, %add3A_371 : vector<16xi32>
      %gather3A = tpu.vector_load_idx %arg8[%add3A_372] : memref<64xi32, #tpu.memory_space<vmem>>[vector<16xi32>], vector<16xi32>,
      %reduce_max3A = arith.constant true
      %reduce_max3A_373 = vector.broadcast %reduce_max3A : i1 to vector<16xi1>
      %reduce_max3A_374 = arith.constant -2147483648 : i32
      %reduce_max3A_375 = vector.broadcast %reduce_max3A_374 : i32 to vector<16xi32>
      %reduce_max3A_376 = arith.xori %gather3A, %reduce_max3A_375 : vector<16xi32>
      %reduce_max3A_377 = tpu.scan <max>, %reduce_max3A_376 masked %reduce_max3A_373 : vector<16xi32>, vector<16xi1> -> vector<16xi32>
      %reduce_max3A_378 = arith.xori %reduce_max3A_377, %reduce_max3A_375 : vector<16xi32>
      %reduce_max3A_379 = vector.extract %reduce_max3A_378[15] : i32 from vector<16xi32>
      %mul3A_380 = arith.constant 2048 : i32
      %mul3A_381 = arith.muli %reduce_max3A_379, %mul3A_380 : i32
      %parallel_loop3A_382 = arith.constant 0 : i32
      %parallel_loop3A_383 = arith.constant 128 : i32
      %parallel_loop3A_384 = arith.constant 1 : i32
      scf.for %parallel_loop3A_386 = %parallel_loop3A_382 to %parallel_loop3A_383 step %parallel_loop3A_384  : i32 {
        %parallel_loop3A_387 = arith.constant 16 : i32
        %parallel_loop3A_388 = arith.muli %parallel_loop3A_386, %parallel_loop3A_387 : i32
        %parallel_loop3A_389 = arith.constant 16 : i32
        %parallel_loop3A_390 = arith.addi %parallel_loop3A_389, %scan3A_366 : i32
        %parallel_loop3A_391 = arith.index_cast %parallel_loop3A_390 : i32 to index
        %parallel_loop3A_392 = arith.index_cast %parallel_loop3A_388 : i32 to index
        %parallel_loop3A_393 = tpu.vector_load %arg10[%parallel_loop3A_391, %parallel_loop3A_392] {strides = array<i32>} : memref<24x2048xf32, #tpu.memory_space<vmem>>, vector<16xf32>,
        %parallel_loop3A_394 = arith.addi %mul3A_381, %parallel_loop3A_388 : i32
        %parallel_loop3A_395 = arith.index_cast %parallel_loop3A_394 : i32 to index
        %parallel_loop3A_396 = tpu.vector_load %arg9[%parallel_loop3A_395] {strides = array<i32>} : memref<6144xf32, #tpu.memory_space<vmem>>, vector<16xf32>,
        %parallel_loop3A_397 = arith.constant 45.2548332 : f32
        %parallel_loop3A_398 = vector.broadcast %parallel_loop3A_397 : f32 to vector<16xf32>
        %parallel_loop3A_399 = arith.mulf %parallel_loop3A_393, %parallel_loop3A_398 : vector<16xf32>
        %parallel_loop3A_400 = arith.addf %parallel_loop3A_399, %parallel_loop3A_396 : vector<16xf32>
        %parallel_loop3A_401 = arith.constant 16 : i32
        %parallel_loop3A_402 = arith.addi %parallel_loop3A_401, %scan3A_366 : i32
        %parallel_loop3A_403 = arith.index_cast %parallel_loop3A_402 : i32 to index
        %parallel_loop3A_404 = arith.index_cast %parallel_loop3A_388 : i32 to index
        %parallel_loop3A_405 = tpu.vector_load %arg10[%parallel_loop3A_403, %parallel_loop3A_404] {strides = array<i32>} : memref<24x2048xf32, #tpu.memory_space<vmem>>, vector<16xf32>,
        tpu.vector_store %arg10[%parallel_loop3A_403, %parallel_loop3A_404], %parallel_loop3A_400 {strides = array<i32>} : memref<24x2048xf32, #tpu.memory_space<vmem>>, vector<16xf32>,
      } {sc.loop_unroll_factor = 8 : i64, sc.parallel_access}
      %scan3A_385 = arith.constant 0 : i32
      scf.yield %scan3A_385 : i32
    }
    %scan3A_271 = arith.constant 8 : i32
    %add3A_272 = arith.constant 40 : i32
    %add3A_273 = arith.addi %mul3A_2, %add3A_272 : i32
    %dma_start3A_274 = arith.constant 16 : i32
    %dma_start3A_275 = arith.constant 0 : i32
    %dma_start3A_276 = tpu.memref_slice %arg10[%dma_start3A_274, %dma_start3A_275] : memref<24x2048xf32, #tpu.memory_space<vmem>> -> memref<8x2048xf32, #tpu.memory_space<vmem>>
    %dma_start3A_277 = arith.constant 0 : i32
    %dma_start3A_278 = tpu.memref_slice %arg6[%add3A_273, %dma_start3A_277] : memref<2048x2048xf32, #tpu.memory_space<hbm>> -> memref<8x2048xf32, #tpu.memory_space<hbm>>
    %dma_start3A_279 = arith.constant 0 : i32
    %dma_start3A_280 = tpu.memref_slice %arg6[%add3A_273, %dma_start3A_279] : memref<2048x2048xf32, #tpu.memory_space<hbm>> -> memref<8x2048xf32, #tpu.memory_space<hbm>>
    %dma_start3A_281 = arith.constant 16 : i32
    %dma_start3A_282 = arith.constant 0 : i32
    %dma_start3A_283 = tpu.memref_slice %arg10[%dma_start3A_281, %dma_start3A_282] : memref<24x2048xf32, #tpu.memory_space<vmem>> -> memref<8x2048xf32, #tpu.memory_space<vmem>>
    tpu.enqueue_dma source(%dma_start3A_283 : memref<8x2048xf32, #tpu.memory_space<vmem>>) target(%dma_start3A_280 : memref<8x2048xf32, #tpu.memory_space<hbm>>) target_semaphore(%arg16 : memref<!tpu.dma_semaphore, #tpu.memory_space<semaphore_mem>>)
    %dma_wait3A_284 = arith.constant 0 : i32
    %dma_wait3A_285 = arith.constant 0 : i32
    %dma_wait3A_286 = tpu.memref_slice %arg10[%dma_wait3A_284, %dma_wait3A_285] : memref<24x2048xf32, #tpu.memory_space<vmem>> -> memref<8x2048xf32, #tpu.memory_space<vmem>>
    %dma_wait3A_287 = tpu.memref_slice %arg7[%add3A_205] : memref<2048xi32, #tpu.memory_space<vmem>> -> memref<8xi32, #tpu.memory_space<vmem>>
    %dma_wait3A_288 = arith.constant 0 : i32
    %dma_wait3A_289 = arith.constant 0 : i32
    %dma_wait3A_290 = tpu.memref_slice %arg4[%dma_wait3A_288, %dma_wait3A_289] : memref<100000x2048xf32, #tpu.memory_space<hbm>> -> memref<100000x2048xf32, #tpu.memory_space<hbm>>
    tpu.wait_indirect_dma semaphore(%arg11 : memref<!tpu.dma_semaphore, #tpu.memory_space<semaphore_mem>>) src(%dma_wait3A_290 : memref<100000x2048xf32, #tpu.memory_space<hbm>>) dst(%dma_wait3A_286 : memref<8x2048xf32, #tpu.memory_space<vmem>>)
    %scan3A_291 = arith.constant 0 : i32
    %scan3A_292 = arith.constant 0 : i32
    %scan3A_293 = arith.constant 8 : i32
    %scan3A_294 = arith.addi %scan3A_292, %scan3A_293 : i32
    %scan3A_295 = arith.constant 1 : i32
    %scan3A_296 = scf.for %scan3A_366 = %scan3A_292 to %scan3A_294 step %scan3A_295 iter_args(%scan3A_367 = %scan3A_291) -> (i32)  : i32 {
      %add3A_368 = arith.constant 48 : i32
      %add3A_369 = arith.addi %add3A_368, %scan3A_366 : i32
      %broadcast_in_dim3A = arith.constant 0 : i32
      %broadcast_in_dim3A_370 = vector.broadcast %broadcast_in_dim3A : i32 to vector<16xi32>
      %add3A_371 = vector.broadcast %add3A_369 : i32 to vector<16xi32>
      %add3A_372 = arith.addi %broadcast_in_dim3A_370, %add3A_371 : vector<16xi32>
      %gather3A = tpu.vector_load_idx %arg8[%add3A_372] : memref<64xi32, #tpu.memory_space<vmem>>[vector<16xi32>], vector<16xi32>,
      %reduce_max3A = arith.constant true
      %reduce_max3A_373 = vector.broadcast %reduce_max3A : i1 to vector<16xi1>
      %reduce_max3A_374 = arith.constant -2147483648 : i32
      %reduce_max3A_375 = vector.broadcast %reduce_max3A_374 : i32 to vector<16xi32>
      %reduce_max3A_376 = arith.xori %gather3A, %reduce_max3A_375 : vector<16xi32>
      %reduce_max3A_377 = tpu.scan <max>, %reduce_max3A_376 masked %reduce_max3A_373 : vector<16xi32>, vector<16xi1> -> vector<16xi32>
      %reduce_max3A_378 = arith.xori %reduce_max3A_377, %reduce_max3A_375 : vector<16xi32>
      %reduce_max3A_379 = vector.extract %reduce_max3A_378[15] : i32 from vector<16xi32>
      %mul3A_380 = arith.constant 2048 : i32
      %mul3A_381 = arith.muli %reduce_max3A_379, %mul3A_380 : i32
      %parallel_loop3A_382 = arith.constant 0 : i32
      %parallel_loop3A_383 = arith.constant 128 : i32
      %parallel_loop3A_384 = arith.constant 1 : i32
      scf.for %parallel_loop3A_386 = %parallel_loop3A_382 to %parallel_loop3A_383 step %parallel_loop3A_384  : i32 {
        %parallel_loop3A_387 = arith.constant 16 : i32
        %parallel_loop3A_388 = arith.muli %parallel_loop3A_386, %parallel_loop3A_387 : i32
        %parallel_loop3A_389 = arith.constant 0 : i32
        %parallel_loop3A_390 = arith.addi %parallel_loop3A_389, %scan3A_366 : i32
        %parallel_loop3A_391 = arith.index_cast %parallel_loop3A_390 : i32 to index
        %parallel_loop3A_392 = arith.index_cast %parallel_loop3A_388 : i32 to index
        %parallel_loop3A_393 = tpu.vector_load %arg10[%parallel_loop3A_391, %parallel_loop3A_392] {strides = array<i32>} : memref<24x2048xf32, #tpu.memory_space<vmem>>, vector<16xf32>,
        %parallel_loop3A_394 = arith.addi %mul3A_381, %parallel_loop3A_388 : i32
        %parallel_loop3A_395 = arith.index_cast %parallel_loop3A_394 : i32 to index
        %parallel_loop3A_396 = tpu.vector_load %arg9[%parallel_loop3A_395] {strides = array<i32>} : memref<6144xf32, #tpu.memory_space<vmem>>, vector<16xf32>,
        %parallel_loop3A_397 = arith.constant 45.2548332 : f32
        %parallel_loop3A_398 = vector.broadcast %parallel_loop3A_397 : f32 to vector<16xf32>
        %parallel_loop3A_399 = arith.mulf %parallel_loop3A_393, %parallel_loop3A_398 : vector<16xf32>
        %parallel_loop3A_400 = arith.addf %parallel_loop3A_399, %parallel_loop3A_396 : vector<16xf32>
        %parallel_loop3A_401 = arith.constant 0 : i32
        %parallel_loop3A_402 = arith.addi %parallel_loop3A_401, %scan3A_366 : i32
        %parallel_loop3A_403 = arith.index_cast %parallel_loop3A_402 : i32 to index
        %parallel_loop3A_404 = arith.index_cast %parallel_loop3A_388 : i32 to index
        %parallel_loop3A_405 = tpu.vector_load %arg10[%parallel_loop3A_403, %parallel_loop3A_404] {strides = array<i32>} : memref<24x2048xf32, #tpu.memory_space<vmem>>, vector<16xf32>,
        tpu.vector_store %arg10[%parallel_loop3A_403, %parallel_loop3A_404], %parallel_loop3A_400 {strides = array<i32>} : memref<24x2048xf32, #tpu.memory_space<vmem>>, vector<16xf32>,
      } {sc.loop_unroll_factor = 8 : i64, sc.parallel_access}
      %scan3A_385 = arith.constant 0 : i32
      scf.yield %scan3A_385 : i32
    }
    %scan3A_297 = arith.constant 8 : i32
    %add3A_298 = arith.constant 48 : i32
    %add3A_299 = arith.addi %mul3A_2, %add3A_298 : i32
    %dma_start3A_300 = arith.constant 0 : i32
    %dma_start3A_301 = arith.constant 0 : i32
    %dma_start3A_302 = tpu.memref_slice %arg10[%dma_start3A_300, %dma_start3A_301] : memref<24x2048xf32, #tpu.memory_space<vmem>> -> memref<8x2048xf32, #tpu.memory_space<vmem>>
    %dma_start3A_303 = arith.constant 0 : i32
    %dma_start3A_304 = tpu.memref_slice %arg6[%add3A_299, %dma_start3A_303] : memref<2048x2048xf32, #tpu.memory_space<hbm>> -> memref<8x2048xf32, #tpu.memory_space<hbm>>
    %dma_start3A_305 = arith.constant 0 : i32
    %dma_start3A_306 = tpu.memref_slice %arg6[%add3A_299, %dma_start3A_305] : memref<2048x2048xf32, #tpu.memory_space<hbm>> -> memref<8x2048xf32, #tpu.memory_space<hbm>>
    %dma_start3A_307 = arith.constant 0 : i32
    %dma_start3A_308 = arith.constant 0 : i32
    %dma_start3A_309 = tpu.memref_slice %arg10[%dma_start3A_307, %dma_start3A_308] : memref<24x2048xf32, #tpu.memory_space<vmem>> -> memref<8x2048xf32, #tpu.memory_space<vmem>>
    tpu.enqueue_dma source(%dma_start3A_309 : memref<8x2048xf32, #tpu.memory_space<vmem>>) target(%dma_start3A_306 : memref<8x2048xf32, #tpu.memory_space<hbm>>) target_semaphore(%arg14 : memref<!tpu.dma_semaphore, #tpu.memory_space<semaphore_mem>>)
    %dma_wait3A_310 = arith.constant 8 : i32
    %dma_wait3A_311 = arith.constant 0 : i32
    %dma_wait3A_312 = tpu.memref_slice %arg10[%dma_wait3A_310, %dma_wait3A_311] : memref<24x2048xf32, #tpu.memory_space<vmem>> -> memref<8x2048xf32, #tpu.memory_space<vmem>>
    %dma_wait3A_313 = tpu.memref_slice %arg7[%add3A_250] : memref<2048xi32, #tpu.memory_space<vmem>> -> memref<8xi32, #tpu.memory_space<vmem>>
    %dma_wait3A_314 = arith.constant 0 : i32
    %dma_wait3A_315 = arith.constant 0 : i32
    %dma_wait3A_316 = tpu.memref_slice %arg4[%dma_wait3A_314, %dma_wait3A_315] : memref<100000x2048xf32, #tpu.memory_space<hbm>> -> memref<100000x2048xf32, #tpu.memory_space<hbm>>
    tpu.wait_indirect_dma semaphore(%arg12 : memref<!tpu.dma_semaphore, #tpu.memory_space<semaphore_mem>>) src(%dma_wait3A_316 : memref<100000x2048xf32, #tpu.memory_space<hbm>>) dst(%dma_wait3A_312 : memref<8x2048xf32, #tpu.memory_space<vmem>>)
    %scan3A_317 = arith.constant 0 : i32
    %scan3A_318 = arith.constant 0 : i32
    %scan3A_319 = arith.constant 8 : i32
    %scan3A_320 = arith.addi %scan3A_318, %scan3A_319 : i32
    %scan3A_321 = arith.constant 1 : i32
    %scan3A_322 = scf.for %scan3A_366 = %scan3A_318 to %scan3A_320 step %scan3A_321 iter_args(%scan3A_367 = %scan3A_317) -> (i32)  : i32 {
      %add3A_368 = arith.constant 56 : i32
      %add3A_369 = arith.addi %add3A_368, %scan3A_366 : i32
      %broadcast_in_dim3A = arith.constant 0 : i32
      %broadcast_in_dim3A_370 = vector.broadcast %broadcast_in_dim3A : i32 to vector<16xi32>
      %add3A_371 = vector.broadcast %add3A_369 : i32 to vector<16xi32>
      %add3A_372 = arith.addi %broadcast_in_dim3A_370, %add3A_371 : vector<16xi32>
      %gather3A = tpu.vector_load_idx %arg8[%add3A_372] : memref<64xi32, #tpu.memory_space<vmem>>[vector<16xi32>], vector<16xi32>,
      %reduce_max3A = arith.constant true
      %reduce_max3A_373 = vector.broadcast %reduce_max3A : i1 to vector<16xi1>
      %reduce_max3A_374 = arith.constant -2147483648 : i32
      %reduce_max3A_375 = vector.broadcast %reduce_max3A_374 : i32 to vector<16xi32>
      %reduce_max3A_376 = arith.xori %gather3A, %reduce_max3A_375 : vector<16xi32>
      %reduce_max3A_377 = tpu.scan <max>, %reduce_max3A_376 masked %reduce_max3A_373 : vector<16xi32>, vector<16xi1> -> vector<16xi32>
      %reduce_max3A_378 = arith.xori %reduce_max3A_377, %reduce_max3A_375 : vector<16xi32>
      %reduce_max3A_379 = vector.extract %reduce_max3A_378[15] : i32 from vector<16xi32>
      %mul3A_380 = arith.constant 2048 : i32
      %mul3A_381 = arith.muli %reduce_max3A_379, %mul3A_380 : i32
      %parallel_loop3A_382 = arith.constant 0 : i32
      %parallel_loop3A_383 = arith.constant 128 : i32
      %parallel_loop3A_384 = arith.constant 1 : i32
      scf.for %parallel_loop3A_386 = %parallel_loop3A_382 to %parallel_loop3A_383 step %parallel_loop3A_384  : i32 {
        %parallel_loop3A_387 = arith.constant 16 : i32
        %parallel_loop3A_388 = arith.muli %parallel_loop3A_386, %parallel_loop3A_387 : i32
        %parallel_loop3A_389 = arith.constant 8 : i32
        %parallel_loop3A_390 = arith.addi %parallel_loop3A_389, %scan3A_366 : i32
        %parallel_loop3A_391 = arith.index_cast %parallel_loop3A_390 : i32 to index
        %parallel_loop3A_392 = arith.index_cast %parallel_loop3A_388 : i32 to index
        %parallel_loop3A_393 = tpu.vector_load %arg10[%parallel_loop3A_391, %parallel_loop3A_392] {strides = array<i32>} : memref<24x2048xf32, #tpu.memory_space<vmem>>, vector<16xf32>,
        %parallel_loop3A_394 = arith.addi %mul3A_381, %parallel_loop3A_388 : i32
        %parallel_loop3A_395 = arith.index_cast %parallel_loop3A_394 : i32 to index
        %parallel_loop3A_396 = tpu.vector_load %arg9[%parallel_loop3A_395] {strides = array<i32>} : memref<6144xf32, #tpu.memory_space<vmem>>, vector<16xf32>,
        %parallel_loop3A_397 = arith.constant 45.2548332 : f32
        %parallel_loop3A_398 = vector.broadcast %parallel_loop3A_397 : f32 to vector<16xf32>
        %parallel_loop3A_399 = arith.mulf %parallel_loop3A_393, %parallel_loop3A_398 : vector<16xf32>
        %parallel_loop3A_400 = arith.addf %parallel_loop3A_399, %parallel_loop3A_396 : vector<16xf32>
        %parallel_loop3A_401 = arith.constant 8 : i32
        %parallel_loop3A_402 = arith.addi %parallel_loop3A_401, %scan3A_366 : i32
        %parallel_loop3A_403 = arith.index_cast %parallel_loop3A_402 : i32 to index
        %parallel_loop3A_404 = arith.index_cast %parallel_loop3A_388 : i32 to index
        %parallel_loop3A_405 = tpu.vector_load %arg10[%parallel_loop3A_403, %parallel_loop3A_404] {strides = array<i32>} : memref<24x2048xf32, #tpu.memory_space<vmem>>, vector<16xf32>,
        tpu.vector_store %arg10[%parallel_loop3A_403, %parallel_loop3A_404], %parallel_loop3A_400 {strides = array<i32>} : memref<24x2048xf32, #tpu.memory_space<vmem>>, vector<16xf32>,
      } {sc.loop_unroll_factor = 8 : i64, sc.parallel_access}
      %scan3A_385 = arith.constant 0 : i32
      scf.yield %scan3A_385 : i32
    }
    %scan3A_323 = arith.constant 8 : i32
    %add3A_324 = arith.constant 56 : i32
    %add3A_325 = arith.addi %mul3A_2, %add3A_324 : i32
    %dma_start3A_326 = arith.constant 8 : i32
    %dma_start3A_327 = arith.constant 0 : i32
    %dma_start3A_328 = tpu.memref_slice %arg10[%dma_start3A_326, %dma_start3A_327] : memref<24x2048xf32, #tpu.memory_space<vmem>> -> memref<8x2048xf32, #tpu.memory_space<vmem>>
    %dma_start3A_329 = arith.constant 0 : i32
    %dma_start3A_330 = tpu.memref_slice %arg6[%add3A_325, %dma_start3A_329] : memref<2048x2048xf32, #tpu.memory_space<hbm>> -> memref<8x2048xf32, #tpu.memory_space<hbm>>
    %dma_start3A_331 = arith.constant 0 : i32
    %dma_start3A_332 = tpu.memref_slice %arg6[%add3A_325, %dma_start3A_331] : memref<2048x2048xf32, #tpu.memory_space<hbm>> -> memref<8x2048xf32, #tpu.memory_space<hbm>>
    %dma_start3A_333 = arith.constant 8 : i32
    %dma_start3A_334 = arith.constant 0 : i32
    %dma_start3A_335 = tpu.memref_slice %arg10[%dma_start3A_333, %dma_start3A_334] : memref<24x2048xf32, #tpu.memory_space<vmem>> -> memref<8x2048xf32, #tpu.memory_space<vmem>>
    tpu.enqueue_dma source(%dma_start3A_335 : memref<8x2048xf32, #tpu.memory_space<vmem>>) target(%dma_start3A_332 : memref<8x2048xf32, #tpu.memory_space<hbm>>) target_semaphore(%arg15 : memref<!tpu.dma_semaphore, #tpu.memory_space<semaphore_mem>>)
    %dma_wait3A_336 = arith.constant 0 : i32
    %dma_wait3A_337 = arith.constant 0 : i32
    %dma_wait3A_338 = tpu.memref_slice %arg10[%dma_wait3A_336, %dma_wait3A_337] : memref<24x2048xf32, #tpu.memory_space<vmem>> -> memref<8x2048xf32, #tpu.memory_space<vmem>>
    %dma_wait3A_339 = arith.constant 0 : i32
    %dma_wait3A_340 = tpu.memref_slice %arg6[%add3A_299, %dma_wait3A_339] : memref<2048x2048xf32, #tpu.memory_space<hbm>> -> memref<8x2048xf32, #tpu.memory_space<hbm>>
    %dma_wait3A_341 = arith.constant 0 : i32
    %dma_wait3A_342 = tpu.memref_slice %arg6[%add3A_299, %dma_wait3A_341] : memref<2048x2048xf32, #tpu.memory_space<hbm>> -> memref<8x2048xf32, #tpu.memory_space<hbm>>
    %dma_wait3A_343 = arith.constant 0 : i32
    %dma_wait3A_344 = arith.constant 0 : i32
    %dma_wait3A_345 = tpu.memref_slice %arg10[%dma_wait3A_343, %dma_wait3A_344] : memref<24x2048xf32, #tpu.memory_space<vmem>> -> memref<8x2048xf32, #tpu.memory_space<vmem>>
    tpu.wait_dma2 semaphore(%arg14 : memref<!tpu.dma_semaphore, #tpu.memory_space<semaphore_mem>>) src(%dma_wait3A_345 : memref<8x2048xf32, #tpu.memory_space<vmem>>) dst(%dma_wait3A_342 : memref<8x2048xf32, #tpu.memory_space<hbm>>)
    %dma_wait3A_346 = arith.constant 8 : i32
    %dma_wait3A_347 = arith.constant 0 : i32
    %dma_wait3A_348 = tpu.memref_slice %arg10[%dma_wait3A_346, %dma_wait3A_347] : memref<24x2048xf32, #tpu.memory_space<vmem>> -> memref<8x2048xf32, #tpu.memory_space<vmem>>
    %dma_wait3A_349 = arith.constant 0 : i32
    %dma_wait3A_350 = tpu.memref_slice %arg6[%add3A_325, %dma_wait3A_349] : memref<2048x2048xf32, #tpu.memory_space<hbm>> -> memref<8x2048xf32, #tpu.memory_space<hbm>>
    %dma_wait3A_351 = arith.constant 0 : i32
    %dma_wait3A_352 = tpu.memref_slice %arg6[%add3A_325, %dma_wait3A_351] : memref<2048x2048xf32, #tpu.memory_space<hbm>> -> memref<8x2048xf32, #tpu.memory_space<hbm>>
    %dma_wait3A_353 = arith.constant 8 : i32
    %dma_wait3A_354 = arith.constant 0 : i32
    %dma_wait3A_355 = tpu.memref_slice %arg10[%dma_wait3A_353, %dma_wait3A_354] : memref<24x2048xf32, #tpu.memory_space<vmem>> -> memref<8x2048xf32, #tpu.memory_space<vmem>>
    tpu.wait_dma2 semaphore(%arg15 : memref<!tpu.dma_semaphore, #tpu.memory_space<semaphore_mem>>) src(%dma_wait3A_355 : memref<8x2048xf32, #tpu.memory_space<vmem>>) dst(%dma_wait3A_352 : memref<8x2048xf32, #tpu.memory_space<hbm>>)
    %dma_wait3A_356 = arith.constant 16 : i32
    %dma_wait3A_357 = arith.constant 0 : i32
    %dma_wait3A_358 = tpu.memref_slice %arg10[%dma_wait3A_356, %dma_wait3A_357] : memref<24x2048xf32, #tpu.memory_space<vmem>> -> memref<8x2048xf32, #tpu.memory_space<vmem>>
    %dma_wait3A_359 = arith.constant 0 : i32
    %dma_wait3A_360 = tpu.memref_slice %arg6[%add3A_273, %dma_wait3A_359] : memref<2048x2048xf32, #tpu.memory_space<hbm>> -> memref<8x2048xf32, #tpu.memory_space<hbm>>
    %dma_wait3A_361 = arith.constant 0 : i32
    %dma_wait3A_362 = tpu.memref_slice %arg6[%add3A_273, %dma_wait3A_361] : memref<2048x2048xf32, #tpu.memory_space<hbm>> -> memref<8x2048xf32, #tpu.memory_space<hbm>>
    %dma_wait3A_363 = arith.constant 16 : i32
    %dma_wait3A_364 = arith.constant 0 : i32
    %dma_wait3A_365 = tpu.memref_slice %arg10[%dma_wait3A_363, %dma_wait3A_364] : memref<24x2048xf32, #tpu.memory_space<vmem>> -> memref<8x2048xf32, #tpu.memory_space<vmem>>
    tpu.wait_dma2 semaphore(%arg16 : memref<!tpu.dma_semaphore, #tpu.memory_space<semaphore_mem>>) src(%dma_wait3A_365 : memref<8x2048xf32, #tpu.memory_space<vmem>>) dst(%dma_wait3A_362 : memref<8x2048xf32, #tpu.memory_space<hbm>>)
    return
  }
}

</mosaic_0001>

<sc_bundles>
// kernel: kernel.3.cloned.1.call-start
scs
__scs_entry_jumppad:
0x0: {  	(pc) =	sbr.rel $0x88, $3  }
0x1: {  	(tag) =	ssettag $0x0;
	lr =	simm.s32 $0x1  }
0x2: {  	[smem:$0x3F9D] =	sst lr;
	_ =	strace $0xD0000000  }
0x3: {  	_ = 	snop  }
0x4: {  	_ = 	snop  }
0x5: {  	_ = 	snop  }
0x6: {  	_ = 	snop  }
0x7: {  	_ = 	snop  }
__scs_overlays_trampoline_lowered:
0x8: {  	[smem:$0x3FAC] =	sst s0  }
0x9: {  	[smem:$0x3FAD] =	sst s1  }
0xa: {  	[smem:$0x3FAE] =	sst s2  }
0xb: {  	[smem:$0x3FAF] =	sst s3  }
0xc: {  	[smem:$0x3FB0] =	sst s4  }
0xd: {  	[smem:$0x3FB1] =	sst s5  }
0xe: {  	[smem:$0x3FB2] =	sst s6  }
0xf: {  	[smem:$0x3FB3] =	sst s7  }
0x10: {  	[smem:$0x3FB4] =	sst s8  }
0x11: {  	[smem:$0x3FB5] =	sst s9;
	s0 =	simm.s32 @!p0 $0x0  }
0x12: {  	s1 =	sld [smem:$0x3F9B];
	s0 =	simm.s32 @p0 $0x1  }
0x13: {  	[smem:$0x3FB6] =	sst s0;
	s0 =	simm.s32 @!p1 $0x0  }
0x14: {  	s2 =	sld [smem:$0x3F9A];
	s0 =	simm.s32 @p1 $0x1  }
0x15: {  	[smem:$0x3FB7] =	sst s0;
	s0 =	simm.s32 @!p2 $0x0  }
0x16: {  	s3 =	sld [smem:$0x3FDB];
	s0 =	simm.s32 @p2 $0x1  }
0x17: {  	s4 =	simm.s32 $0x1BF5;
	[smem:$0x3FB9] =	sst s0  }
0x18: {  	s0 =	sld [smem:$0x3F9C];
	_ =	swait.ge [sflag:s4], $0x0  }
0x19: {  	s7 =	sld [smem:$0x3F9D]  }
0x1a: {  	s8 =	sadd.s32 $0xFFFFE003, lr  }
0x1b: {  	s9 =	sadd.s32 $0xFFFFFEF7, lr;
	s5 =	simm.s32 $0xFFFFFFFF;
	p2 =	slt.u32 s8, $0xFFFFF086  }
0x1c: {  	p1 =	slt.u32 s9, $0xF7A;
	s5 =	simm.s32 @!p2 $0x0  }
0x1d: {  	s5 =	simm.s32 @p1 $0x1;
	p0 =	seq.s32 s7, s2  }
0x1e: {  	s7 =	smul.u32 @!p0 $0xF7A, s2;
	p2 =	seq.s32 @!p0 s5, $0x0  }
0x1f: {  	s9 =	smul.u32 $0xF7A, s1;
	s8 =	simm.s32 @!p0 $0x1BF5;
	p2 =	por !p2, p0  }
0x20: {  	[sflag:s8] =	ssyncset.s32 @!p0 $0xFFFFF086;
	s6 =	sadd.s32 @!p0 s3, s7;
	s7 =	simm.s32 @!p0 $0x108  }
0x21: {  	s3 =	sadd.s32 s3, s9;
	s6 =	sadd.s32 @!p0 $0x88, s6;
	s7 =	simm.s32 @p2 $0x1082  }
0x22: {  	[simem:s7], [sflag:s8] =	dma.local @!p0 [hbm:s6], $0xF7A  }
0x23: {  	s9 =	sor.u32 $0xD0000000, s2;
	s6 =	simm.s32 $0x108;
	_ =	swait.ge @!p0 [sflag:s8], $0x0  }
0x24: {  	s3 =	sadd.s32 $0x88, s3;
	s6 =	simm.s32 @!p1 $0x1082;
	[sflag:s4] =	ssyncset.s32 $0xFFFFF086  }
0x25: {  	[simem:s6], [sflag:s4] =	dma.local [hbm:s3], $0xF7A  }
0x26: {  	[smem:$0x3F9D] =	sst s1;
	(tag) =	ssettag s2;
	_ =	strace s9  }
0x27: {  	s1 =	sld [smem:$0x3FAD]  }
0x28: {  	s2 =	sld [smem:$0x3FAE]  }
0x29: {  	s4 =	sld [smem:$0x3FB0]  }
0x2a: {  	p0 =	seq.s32 s5, $0x0;
	s5 =	sld [smem:$0x3FB1]  }
0x2b: {  	s6 =	sld [smem:$0x3FB2]  }
0x2c: {  	s7 =	sld [smem:$0x3FB3]  }
0x2d: {  	s3 =	simm.s32 $0x108;
	s8 =	sld [smem:$0x3FB4]  }
0x2e: {  	s3 =	simm.s32 @!p0 $0x1082;
	s9 =	sld [smem:$0x3FB5]  }
0x2f: {  	lr =	sadd.s32 s0, s3;
	s0 =	sld [smem:$0x3FAC]  }
0x30: {  	s3 =	sld [smem:$0x3FAF]  }
0x31: {  	[smem:$0x3FB8] =	sst s10  }
0x32: {  	s10 =	sld [smem:$0x3FB6];
	_ =	sdelay $0x3  }
0x33: {  	p0 =	seq.s32 s10, $0x1;
	s10 =	sld [smem:$0x3FB8];
	_ =	sdelay $0x3  }
0x34: {  	[smem:$0x3FB8] =	sst s10  }
0x35: {  	s10 =	sld [smem:$0x3FB7];
	_ =	sdelay $0x3  }
0x36: {  	p1 =	seq.s32 s10, $0x1;
	s10 =	sld [smem:$0x3FB8];
	_ =	sdelay $0x3  }
0x37: {  	[smem:$0x3FB8] =	sst s10  }
0x38: {  	s10 =	sld [smem:$0x3FB9]  }
0x39: {  	_ = 	snop;
	(pc) =	sbr.ind lr, $3  }
0x3a: {  	_ = 	snop  }
0x3b: {  	_ = 	snop  }
0x3c: {  	p2 =	seq.s32 s10, $0x1;
	s10 =	sld [smem:$0x3FB8]  }
0x3d: {  	_ =	shalt  }
0x3e: {  	_ =	shalt  }
0x3f: {  	_ =	shalt  }
0x40: {  	_ =	shalt  }
0x41: {  	_ =	shalt  }
0x42: {  	_ =	shalt  }
0x43: {  	_ =	shalt  }
0x44: {  	_ =	shalt  }
0x45: {  	_ =	shalt  }
0x46: {  	_ =	shalt  }
0x47: {  	_ =	shalt  }
0x48: {  	_ =	shalt  }
0x49: {  	_ =	shalt  }
0x4a: {  	_ =	shalt  }
0x4b: {  	_ =	shalt  }
0x4c: {  	_ =	shalt  }
0x4d: {  	_ =	shalt  }
0x4e: {  	_ =	shalt  }
0x4f: {  	_ =	shalt  }
0x50: {  	_ =	shalt  }
0x51: {  	_ =	shalt  }
0x52: {  	_ =	shalt  }
0x53: {  	_ =	shalt  }
0x54: {  	_ =	shalt  }
0x55: {  	_ =	shalt  }
0x56: {  	_ =	shalt  }
0x57: {  	_ =	shalt  }
0x58: {  	_ =	shalt  }
0x59: {  	_ =	shalt  }
0x5a: {  	_ =	shalt  }
0x5b: {  	_ =	shalt  }
0x5c: {  	_ =	shalt  }
0x5d: {  	_ =	shalt  }
0x5e: {  	_ =	shalt  }
0x5f: {  	_ =	shalt  }
0x60: {  	_ =	shalt  }
0x61: {  	_ =	shalt  }
0x62: {  	_ =	shalt  }
0x63: {  	_ =	shalt  }
0x64: {  	_ =	shalt  }
0x65: {  	_ =	shalt  }
0x66: {  	_ =	shalt  }
0x67: {  	_ =	shalt  }
0x68: {  	_ =	shalt  }
0x69: {  	_ =	shalt  }
0x6a: {  	_ =	shalt  }
0x6b: {  	_ =	shalt  }
0x6c: {  	_ =	shalt  }
0x6d: {  	_ =	shalt  }
0x6e: {  	_ =	shalt  }
0x6f: {  	_ =	shalt  }
0x70: {  	_ =	shalt  }
0x71: {  	_ =	shalt  }
0x72: {  	_ =	shalt  }
0x73: {  	_ =	shalt  }
0x74: {  	_ =	shalt  }
0x75: {  	_ =	shalt  }
0x76: {  	_ =	shalt  }
0x77: {  	_ =	shalt  }
0x78: {  	_ =	shalt  }
0x79: {  	_ =	shalt  }
0x7a: {  	_ =	shalt  }
0x7b: {  	_ =	shalt  }
0x7c: {  	_ =	shalt  }
0x7d: {  	_ =	shalt  }
0x7e: {  	_ =	shalt  }
0x7f: {  	_ =	shalt  }
0x80: {  	_ =	shalt  }
0x81: {  	_ =	shalt  }
0x82: {  	_ =	shalt  }
0x83: {  	_ =	shalt  }
0x84: {  	_ =	shalt  }
0x85: {  	_ =	shalt  }
0x86: {  	_ =	shalt  }
0x87: {  	_ =	shalt  }
.Lfunc_end0:
.L_simem_size_0:
called_computation_lowered:
.L_overlay_start_0:
0x88: {  	s2 =	sld [smem:$0x3FD9]  }
0x89: {  	s3 =	sld [smem:$0x3FFE];
	_ =	sdelay $0x1  }
0x8a: {  	s1 =	srdreg.scid  }
0x8b: {  	s0 =	sand.u32 $0x1, s1  }
0x8c: {  	s17 =	sshll.u32 s0, $0xA;
	s2 =	sadd.s32 s3, s2  }
0x8d: {  	s2 =	sadd.s32 s2, s17  }
0x8e: {  	[smem:$0x3FC4] =	sst s2  }
0x8f: {  	_ = 	snop  }
0x90: {  	s2 =	sld [smem:$0x3FC9]  }
0x91: {  	s18 =	sld [smem:$0x3FC8]  }
0x92: {  	s4 =	sld [smem:$0x3FC7]  }
0x93: {  	s5 =	sld [smem:$0x3FD0];
	(tm) =	ssettm $0x1  }
0x94: {  	s6 =	sld [smem:$0x3FFB];
	_ =	sdelay $0x3  }
0x95: {  	_ =	strace s6  }
0x96: {  	s6 =	sld [smem:$0x3FFC];
	_ =	sdelay $0x3  }
0x97: {  	_ =	strace s6  }
0x98: {  	s6 =	sld [smem:$0x3FFD];
	_ =	sdelay $0x3  }
0x99: {  	_ =	strace s6  }
0x9a: {  	_ =	strace $0x8FFFFFFF  }
0x9b: {  	s19 =	sld [smem:$0x3FDB];
	_ =	sdelay $0x1  }
0x9c: {  	s7 =	simm.s32 $_scs_section_size  }
0x9d: {  	s8 =	simm.s32 $_size__tile_overlayer_lowered;
	s9 =	simm.s32 $_tile_overlayer_lowered  }
0x9e: {  	s22 =	simm.s32 $0x1BFF;
	s21 =	sshll.u32 s9, $0x1;
	s6 =	sadd.s32 s7, s19  }
0x9f: {  	s10 =	simm.s32 $0x0;
	s20 =	sshll.u32 s8, $0x1;
	s8 =	sadd.s32 s21, s6  }
0xa0: {  	[timem:s10], [sflag:s22] =	dma.local [hbm:s8], s20  }
0xa1: {  	_ =	swait.ge [sflag:s22], s20  }
0xa2: {  	s7 =	ssub.s32 $0x0, s20;
	[sflag:s22] =	ssyncset.done $0x0  }
0xa3: {  	[sflag:s22] =	ssyncadd.s32 s7;
	_ =	sdelay $0x1  }
0xa4: {  	s23 =	simm.s32 $0x1B8B  }
0xa5: {  	_ =	swait.ge [sflag:s23], $0x1  }
0xa6: {  	[sflag:s23] =	ssyncset.done $0x0  }
0xa7: {  	s25 =	simm.s32 $0x1B8E;
	s24 =	sld [smem:$0x3FFE];
	[sflag:s23] =	ssyncadd.s32 $0xFFFFFFFF  }
0xa8: {  	s26 =	simm.s32 $execute0_lowered;
	[smem:$0x3FD2] =	sst s25  }
0xa9: {  	s8 =	sshll.u32 s26, $0x1;
	_ =	strace $0x80000046;
	[dreg:$0x1] =	wrdreg $0xFFFFFFFF  }
0xaa: {  	s28 =	simm.s32 $_size_execute0_lowered;
	s6 =	sadd.s32 s6, s8;
	[dreg:$0x0] =	wrdreg $0x0  }
0xab: {  	s8 =	sshll.u32 s28, $0x1;
	[dreg:$0x2] =	wrdreg s6  }
0xac: {  	[dreg:$0x3] =	wrdreg s8  }
0xad: {  	[dreg:$0x4] =	wrdreg $0xC0  }
0xae: {  	_ =	task [dreg:s10], $0x5FFFF  }
0xaf: {  	[dreg:$0x1] =	wrdreg $0xFFFFFFFF  }
0xb0: {  	[dreg:$0x0] =	wrdreg $0x60  }
0xb1: {  	[dreg:$0x2] =	wrdreg s2  }
0xb2: {  	[dreg:$0x3] =	wrdreg s18  }
0xb3: {  	[dreg:$0x4] =	wrdreg s4  }
0xb4: {  	[dreg:$0x5] =	wrdreg s24  }
0xb5: {  	[dreg:$0x6] =	wrdreg s5  }
0xb6: {  	[dreg:$0x7] =	wrdreg $0x9  }
0xb7: {  	_ =	task.clear_ibuf [dreg:s10], $0x8FFFF;
	_ =	strace $0x90000046  }
0xb8: {  	s29 =	simm.s32 $0x9;
	_ =	strace $0x80000048  }
0xb9: {  	_ =	swait.ge [sflag:s29], $0x1  }
0xba: {  	[sflag:s29] =	ssyncadd.s32 $0xFFFFFFFF  }
0xbb: {  	_ =	strace $0x90000048  }
0xbc: {  	_ =	sfence  }
0xbd: {  	s30 =	sld [smem:$0x0];
	_ =	sdelay $0x2  }
0xbe: {  	s31 =	sshll.u32 s1, $0xD;
	s1 =	sshrl.u32 s1, $0x2  }
0xbf: {  	s3 =	sand.u32 $0x4000, s31;
	s1 =	sadd.s32 s1, s30  }
0xc0: {  	s0 =	sor.u32 s3, s0;
	s1 =	sshll.u32 s1, $0x11  }
0xc1: {  	s0 =	sor.u32 s1, s0  }
0xc2: {  	s0 =	sadd.s32 $0x8F2B, s0  }
0xc3: {  	[sflag:s0] =	ssyncadd.remote.s32 $0x1  }
0xc4: {  	_ =	sfence.sel $0xFFFF  }
0xc5: {  	[dreg:$0x0] =	wrdreg $0xFFFFFFFF;
	(pc) =	sbr.abs _section_cstart, $3  }
0xc6: {  	[dreg:$0x1] =	wrdreg $0xFFFFFFFF  }
0xc7: {  	_ =	task.clear_ibuf [dreg:s10], $0x2FFFF;
	_ =	strace $0x9FFFFFFF  }
0xc8: {  	(tm) =	ssettm $0x7FFFFFFF  }
0xc9: {  	_ =	shalt  }
tec
execute0_lowered:
.L_overlay_start_1:
0x0: {  	(tag) =	ssettag $0x1  }
0x1: {  	s0 =	rddreg [dreg:$0x1]  }
0x2: {  	s2 =	rddreg [dreg:$0x2]  }
0x3: {  	s1 =	rddreg [dreg:$0x3]  }
0x4: {  	s3 =	rddreg [dreg:$0x4]  }
0x5: {  	s5 =	srdreg.scid;
	s4 =	simm.s32 $0x0;
	s6 =	stileid.u32  }
0x6: {  	s10 =	simm.s32 $0x8880;
	s5 =	sand.u32 $0x1, s5;
	[smem:$0x7FF] =	sst s4  }
0x7: {  	s6 =	sshll.u32 s6, $0x7;
	s1 =	sadd.s32 $0x400, s1;
	s8 =	sadd.s32 $0x100, s2  }
0x8: {  	s28 =	sadd.s32 $0x400, s2;
	s29 =	sadd.s32 $0x500, s2;
	s30 =	sadd.s32 $0x600, s2  }
0x9: {  	s31 =	sadd.s32 $0x700, s2;
	s7 =	sshll.u32 s5, $0x6;
	s5 =	ssub.s32 $0x2, s5  }
0xa: {  	_ =	strace $0x80000047;
	s7 =	sor.u32 s7, s6;
	s11 =	sshrl.u32 s5, $0x1  }
0xb: {  	[dreg:$0x7] =	wrdreg s1;
	s6 =	sshrl.u32 s7, $0x3;
	s1 =	ssub.s32 s5, s11  }
0xc: {  	s12 =	sor.u32 $0x8, s7;
	s13 =	sor.u32 $0x10, s7;
	s14 =	sshll.u32 s7, $0x8  }
0xd: {  	s9 =	sor.u32 $0x18, s7;
	s16 =	sor.u32 $0x20, s7;
	[dreg:$0x6] =	wrdreg s7  }
0xe: {  	s18 =	sor.u32 $0x28, s7;
	s20 =	sor.u32 $0x30, s7;
	[dreg:$0x9] =	wrdreg s12  }
0xf: {  	s22 =	sor.u32 $0x38, s7;
	s7 =	simm.s32 $0x5;
	[dreg:$0xa] =	wrdreg s13  }
0x10: {  	s11 =	simm.s32 $0x3;
	s0 =	sadd.s32 s0, s6;
	[dreg:$0xc] =	wrdreg s9  }
0x11: {  	s15 =	sshll.u32 s12, $0x8;
	s17 =	sshll.u32 s13, $0x8;
	[dreg:$0xe] =	wrdreg s16  }
0x12: {  	s19 =	sshll.u32 s9, $0x8;
	s21 =	sshll.u32 s16, $0x8;
	[dreg:$0x10] =	wrdreg s18  }
0x13: {  	s23 =	sshll.u32 s18, $0x8;
	[dreg:$0x12] =	wrdreg s20;
	s24 =	sshll.u32 s20, $0x8  }
0x14: {  	[dreg:$0x14] =	wrdreg s22;
	s5 =	sshll.u32 s22, $0x8;
	s26 =	smax.u32 s1, $0x1  }
0x15: {  	s12 =	simm.s32 $0x9080;
	s16 =	simm.s32 $0x8;
	s18 =	simm.s32 $0x9  }
0x16: {  	s20 =	simm.s32 $0xA080;
	s1 =	simm.s32 $0x4;
	[dreg:$0x8] =	wrdreg s0  }
0x17: {  	s6 =	simm.s32 $0x2;
	s0 =	sadd.s32 s3, s14;
	[dreg:$0x18] =	wrdreg s26  }
0x18: {  	s13 =	simm.s32 $0x6;
	s25 =	sadd.s32 s3, s5;
	[dreg:$0xb] =	wrdreg s0  }
0x19: {  	s26 =	sadd.s32 $0x300, s2;
	s0 =	sadd.s32 s3, s15;
	[dreg:$0x17] =	wrdreg s25  }
0x1a: {  	s14 =	simm.s32 $0x9880;
	[dreg:$0xd] =	wrdreg s0;
	s0 =	sadd.s32 s3, s17  }
0x1b: {  	s5 =	simm.s32 $0x1;
	[dreg:$0xf] =	wrdreg s0;
	s0 =	sadd.s32 s3, s19  }
0x1c: {  	s15 =	simm.s32 $0x0;
	[dreg:$0x11] =	wrdreg s0;
	s0 =	sadd.s32 s3, s21  }
0x1d: {  	v0 =	vlaneseq.u32;
	s21 =	simm.s32 $0x6080;
	[dreg:$0x13] =	wrdreg s0;
	s0 =	sadd.s32 s3, s23  }
0x1e: {  	v1 =	vshrl.u32 v0, $0x3;
	[dreg:$0x15] =	wrdreg s0;
	s0 =	sadd.s32 s3, s24;
	s24 =	sadd.s32 $0x200, s2  }
0x1f: {  	vm0 =	vmmov $0xffff;
	v0 =	vand.u32 $0x7, v0;
	v1 =	vmul.u32 $0x8, v1;
	s3 =	simm.s32 $0x800;
	[dreg:$0x16] =	wrdreg s0;
	s0 =	simm.s32 $0x2080  }
.LBB2_1:
0x20: {  	s9 =	rddreg [dreg:$0x0]  }
0x21: {  	[tilespmem:s4], [sflag:$0x7] =	stream.linear.gather [hbm4b:s9+s4], $0x800, $0x38;
	[tilespmem:$0xE080] =	vst v63  }
0x22: {  	s23 =	rddreg [dreg:$0x7];
	s17 =	simm.s32 $0x880  }
0x23: {  	[tilespmem:s17], [sflag:$0x8] =	stream.linear.gather [hbm4b:s23+s4], $0x1800, $0x38;
	[tilespmem:$0xE080] =	vst v63  }
0x24: {  	s25 =	rddreg [dreg:$0x8];
	s17 =	simm.s32 $0x7  }
0x25: {  	[tilespmem:s3], [sflag:$0x9] =	stream.linear.gather [hbm4b:s25+s4], $0x40, $0x38;
	[tilespmem:$0xE080] =	vst v63  }
0x26: {  	_ =	swait.ge [sflag:s17], $0x800  }
0x27: {  	[sflag:s17] =	ssyncset.done $0x0  }
0x28: {  	s19 =	rddreg [dreg:$0x6];
	[sflag:s17] =	ssyncadd.s32 $0xFFFFF800  }
0x29: {  	v2 =	vld.msk [tilespmem:s19+$0x0], $0xff;
	_ =	sdelay $0x4  }
0x2a: {  	v3 =	vshll.u32 v2, $0x4  }
0x2b: {  	v2 =	vand.u32 $0x7, v2;
	v3 =	vand.u32 $0xFFFFFF80, v3  }
0x2c: {  	v2 =	vor.u32 v2, v3  }
0x2d: {  	v2 =	vperm.xlane v2, v0;
	_ =	sdelay $0x1  }
0x2e: {  	v2 =	vadd.s32 v1, v2;
	_ =	sdelay $0x4  }
0x2f: {  	[tilespmem:s0], [sflag:$0x1] =	stream.indirect_vreg.gather [hbm4b:s2+s4], $0x80, v2, vm0, $0xb8;
	[tilespmem:$0xE080] =	vst v63  }
0x30: {  	s22 =	simm.s32 $0x2880  }
0x31: {  	[tilespmem:s22], [sflag:$0x1] =	stream.indirect_vreg.gather [hbm4b:s8+s4], $0x80, v2, vm0, $0xb8;
	[tilespmem:$0xE080] =	vst v63  }
0x32: {  	s23 =	simm.s32 $0x3080  }
0x33: {  	[tilespmem:s23], [sflag:$0x1] =	stream.indirect_vreg.gather [hbm4b:s24+s4], $0x80, v2, vm0, $0xb8;
	[tilespmem:$0xE080] =	vst v63  }
0x34: {  	s25 =	simm.s32 $0x3880  }
0x35: {  	[tilespmem:s25], [sflag:$0x1] =	stream.indirect_vreg.gather [hbm4b:s26+s4], $0x80, v2, vm0, $0xb8;
	[tilespmem:$0xE080] =	vst v63  }
0x36: {  	s17 =	simm.s32 $0x4080  }
0x37: {  	[tilespmem:s17], [sflag:$0x1] =	stream.indirect_vreg.gather [hbm4b:s28+s4], $0x80, v2, vm0, $0xb8;
	[tilespmem:$0xE080] =	vst v63  }
0x38: {  	s19 =	simm.s32 $0x4880  }
0x39: {  	[tilespmem:s19], [sflag:$0x1] =	stream.indirect_vreg.gather [hbm4b:s29+s4], $0x80, v2, vm0, $0xb8;
	[tilespmem:$0xE080] =	vst v63  }
0x3a: {  	s22 =	simm.s32 $0x5080  }
0x3b: {  	[tilespmem:s22], [sflag:$0x1] =	stream.indirect_vreg.gather [hbm4b:s30+s4], $0x80, v2, vm0, $0xb8;
	[tilespmem:$0xE080] =	vst v63  }
0x3c: {  	s23 =	simm.s32 $0x5880;
	s25 =	rddreg [dreg:$0x9]  }
0x3d: {  	[tilespmem:s23], [sflag:$0x1] =	stream.indirect_vreg.gather [hbm4b:s31+s4], $0x80, v2, vm0, $0xb8;
	[tilespmem:$0xE080] =	vst v63  }
0x3e: {  	v2 =	vld.msk [tilespmem:s25+$0x0], $0xff;
	_ =	sdelay $0x4  }
0x3f: {  	v3 =	vshll.u32 v2, $0x4  }
0x40: {  	v2 =	vand.u32 $0x7, v2;
	v3 =	vand.u32 $0xFFFFFF80, v3  }
0x41: {  	v2 =	vor.u32 v2, v3  }
0x42: {  	v2 =	vperm.xlane v2, v0;
	_ =	sdelay $0x1  }
0x43: {  	v2 =	vadd.s32 v1, v2;
	_ =	sdelay $0x4  }
0x44: {  	[tilespmem:s21], [sflag:$0x2] =	stream.indirect_vreg.gather [hbm4b:s2+s4], $0x80, v2, vm0, $0xb8;
	[tilespmem:$0xE080] =	vst v63  }
0x45: {  	s17 =	simm.s32 $0x6880  }
0x46: {  	[tilespmem:s17], [sflag:$0x2] =	stream.indirect_vreg.gather [hbm4b:s8+s4], $0x80, v2, vm0, $0xb8;
	[tilespmem:$0xE080] =	vst v63  }
0x47: {  	s19 =	simm.s32 $0x7080  }
0x48: {  	[tilespmem:s19], [sflag:$0x2] =	stream.indirect_vreg.gather [hbm4b:s24+s4], $0x80, v2, vm0, $0xb8;
	[tilespmem:$0xE080] =	vst v63  }
0x49: {  	s22 =	simm.s32 $0x7880  }
0x4a: {  	[tilespmem:s22], [sflag:$0x2] =	stream.indirect_vreg.gather [hbm4b:s26+s4], $0x80, v2, vm0, $0xb8;
	[tilespmem:$0xE080] =	vst v63  }
0x4b: {  	s23 =	simm.s32 $0x8080  }
0x4c: {  	[tilespmem:s23], [sflag:$0x2] =	stream.indirect_vreg.gather [hbm4b:s28+s4], $0x80, v2, vm0, $0xb8;
	[tilespmem:$0xE080] =	vst v63  }
0x4d: {  	_ = 	snop  }
0x4e: {  	[tilespmem:s10], [sflag:$0x2] =	stream.indirect_vreg.gather [hbm4b:s29+s4], $0x80, v2, vm0, $0xb8;
	[tilespmem:$0xE080] =	vst v63  }
0x4f: {  	_ = 	snop  }
0x50: {  	[tilespmem:s12], [sflag:$0x2] =	stream.indirect_vreg.gather [hbm4b:s30+s4], $0x80, v2, vm0, $0xb8;
	[tilespmem:$0xE080] =	vst v63  }
0x51: {  	_ = 	snop  }
0x52: {  	[tilespmem:s14], [sflag:$0x2] =	stream.indirect_vreg.gather [hbm4b:s31+s4], $0x80, v2, vm0, $0xb8;
	[tilespmem:$0xE080] =	vst v63  }
0x53: {  	_ =	swait.ge [sflag:s16], $0x1800  }
0x54: {  	[sflag:s16] =	ssyncset.done $0x0  }
0x55: {  	s25 =	simm.s32 $0x20;
	[sflag:s16] =	ssyncadd.s32 $0xFFFFE800  }
0x56: {  	v2 =	vld [tilespmem:s25+$0xFFFFFFE0]  }
0x57: {  	s17 =	simm.s32 $0x10A0;
	v3 =	vld [tilespmem:s25+$0xFFFFFFF0]  }
0x58: {  	v4 =	vld [tilespmem:s17+$0xFFFFF7E0]  }
0x59: {  	v5 =	vld [tilespmem:s25+$0x0]  }
0x5a: {  	v9 =	vld [tilespmem:s25+$0x10]  }
0x5b: {  	v7 =	vld [tilespmem:s17+$0xFFFFFFF0];
	v2 =	vcvt.s32.f32 v2  }
0x5c: {  	v6 =	vld [tilespmem:s17+$0xFFFFF7F0]  }
0x5d: {  	v11 =	vld [tilespmem:s17+$0xFFFFF800];
	v4 =	vadd.f32 v2, v4  }
0x5e: {  	v8 =	vld [tilespmem:s17+$0x7F0];
	v10 =	vcvt.s32.f32 v3  }
0x5f: {  	s25 =	sand.u32 $0x7C0, s4;
	v12 =	vld [tilespmem:s17+$0x0];
	[tilespmem:s17+$0xFFFFF7E0] =	vst v4  }
0x60: {  	v3 =	vcvt.s32.f32 v5;
	v7 =	vadd.f32 v10, v7;
	v13 =	vld [tilespmem:s25+$0x1880]  }
0x61: {  	v4 =	vadd.f32 v10, v6;
	v5 =	vld [tilespmem:s25+$0x1080]  }
0x62: {  	v14 =	vadd.f32 v3, v11;
	v6 =	vld [tilespmem:s17+$0x800];
	[tilespmem:s17+$0xFFFFFFF0] =	vst v7  }
0x63: {  	v7 =	vld [tilespmem:s17+$0xFFFFF810];
	[tilespmem:s17+$0xFFFFF7F0] =	vst v4;
	v4 =	vadd.f32 v10, v8  }
0x64: {  	s9 =	simm.s32 $0x0;
	v11 =	vadd.f32 v3, v12;
	[tilespmem:s17+$0xFFFFF800] =	vst v14;
	v8 =	vld [tilespmem:s17+$0x10]  }
0x65: {  	s19 =	simm.s32 $0x10A0;
	s22 =	simm.s32 $0x0;
	s23 =	simm.s32 $0x60;
	[tilespmem:s17+$0x7F0] =	vst v4;
	v4 =	vcvt.s32.f32 v9;
	v9 =	vld [tilespmem:s17+$0x810];
	v10 =	vadd.f32 v2, v13  }
.LBB2_2:
0x66: {  	v12 =	vld [tilespmem:s23+$0xFFFFFFE0];
	s22 =	sadd.s32 $0x4, s22;
	v2 =	vadd.f32 v2, v5;
	[tilespmem:s17+$0x0] =	vst v11  }
0x67: {  	s17 =	sadd.s32 $0x40, s17;
	v5 =	vld [tilespmem:s23+$0xFFFFFFF0];
	p0 =	slt.u32 s22, $0x7C;
	[tilespmem:s25+$0x1880] =	vst v10;
	v3 =	vadd.f32 v3, v6  }
0x68: {  	v6 =	vld [tilespmem:s17+$0xFFFFF7E0];
	[tilespmem:s25+$0x1080] =	vst v2;
	v2 =	vadd.f32 v4, v7  }
0x69: {  	v7 =	vld [tilespmem:s23+$0x0];
	[tilespmem:s19+$0x800] =	vst v3;
	v3 =	vadd.f32 v4, v8  }
0x6a: {  	v8 =	vld [tilespmem:s23+$0x10];
	[tilespmem:s19+$0xFFFFF810] =	vst v2;
	v4 =	vadd.f32 v4, v9  }
0x6b: {  	v2 =	vcvt.s32.f32 v12;
	v9 =	vld [tilespmem:s17+$0xFFFFF7F0];
	[tilespmem:s19+$0x10] =	vst v3  }
0x6c: {  	v10 =	vcvt.s32.f32 v5;
	v11 =	vld [tilespmem:s17+$0xFFFFFFF0];
	[tilespmem:s19+$0x810] =	vst v4;
	s19 =	smov.u32 s17  }
0x6d: {  	v4 =	vadd.f32 v2, v6;
	v6 =	vld [tilespmem:s17+$0x7F0]  }
0x6e: {  	s9 =	sadd.s32 $0x40, s9;
	v3 =	vcvt.s32.f32 v7;
	v7 =	vld [tilespmem:s17+$0xFFFFF800]  }
0x6f: {  	s25 =	sand.u32 $0x7C0, s9;
	[tilespmem:s17+$0xFFFFF7E0] =	vst v4;
	v12 =	vld [tilespmem:s17+$0x0];
	v4 =	vcvt.s32.f32 v8  }
0x70: {  	v13 =	vld [tilespmem:s25+$0x1880];
	v8 =	vadd.f32 v10, v9  }
.Ltmp0:
0x71: {  	v5 =	vld [tilespmem:s25+$0x1080];
	v9 =	vadd.f32 v10, v11;
	(pc) =	sbr.rel @p0 .LBB2_2-.Ltmp0, $4  }
0x72: {  	[tilespmem:s17+$0xFFFFF7F0] =	vst v8;
	v8 =	vadd.f32 v10, v6;
	v6 =	vld [tilespmem:s17+$0x800]  }
0x73: {  	[tilespmem:s17+$0xFFFFFFF0] =	vst v9;
	v9 =	vadd.f32 v3, v7;
	v7 =	vld [tilespmem:s17+$0xFFFFF810]  }
0x74: {  	[tilespmem:s17+$0x7F0] =	vst v8;
	v11 =	vadd.f32 v3, v12;
	v8 =	vld [tilespmem:s17+$0x10]  }
0x75: {  	s23 =	sadd.s32 $0x40, s23;
	v10 =	vadd.f32 v2, v13;
	[tilespmem:s17+$0xFFFFF800] =	vst v9;
	v9 =	vld [tilespmem:s17+$0x810]  }
0x76: {  	v2 =	vadd.f32 v2, v5;
	[tilespmem:s17+$0x0] =	vst v11  }
0x77: {  	[tilespmem:s25+$0x1880] =	vst v10;
	v3 =	vadd.f32 v3, v6  }
0x78: {  	[tilespmem:s25+$0x1080] =	vst v2;
	v2 =	vadd.f32 v4, v7  }
0x79: {  	[tilespmem:s19+$0x800] =	vst v3;
	v3 =	vadd.f32 v4, v8  }
0x7a: {  	[tilespmem:s19+$0xFFFFF810] =	vst v2;
	v2 =	vadd.f32 v4, v9  }
0x7b: {  	[tilespmem:s19+$0x10] =	vst v3  }
0x7c: {  	[tilespmem:s19+$0x810] =	vst v2  }
0x7d: {  	_ =	swait.ge [sflag:s18], $0x40  }
0x7e: {  	[sflag:s18] =	ssyncset.done $0x0  }
0x7f: {  	s9 =	rddreg [dreg:$0xa];
	[sflag:s18] =	ssyncadd.s32 $0xFFFFFFC0  }
0x80: {  	v2 =	vld.msk [tilespmem:s9+$0x0], $0xff;
	_ =	sdelay $0x4  }
0x81: {  	v3 =	vshll.u32 v2, $0x4  }
0x82: {  	v2 =	vand.u32 $0x7, v2;
	v3 =	vand.u32 $0xFFFFFF80, v3  }
0x83: {  	v2 =	vor.u32 v2, v3  }
0x84: {  	v2 =	vperm.xlane v2, v0;
	_ =	sdelay $0x1  }
0x85: {  	v2 =	vadd.s32 v1, v2;
	_ =	sdelay $0x3  }
0x86: {  	s17 =	simm.s32 $0x0  }
0x87: {  	[tilespmem:s20], [sflag:$0x3] =	stream.indirect_vreg.gather [hbm4b:s2+s17], $0x80, v2, vm0, $0xb8;
	[tilespmem:$0xE080] =	vst v63  }
0x88: {  	s22 =	simm.s32 $0xA880  }
0x89: {  	[tilespmem:s22], [sflag:$0x3] =	stream.indirect_vreg.gather [hbm4b:s8+s17], $0x80, v2, vm0, $0xb8;
	[tilespmem:$0xE080] =	vst v63  }
0x8a: {  	s23 =	simm.s32 $0xB080  }
0x8b: {  	[tilespmem:s23], [sflag:$0x3] =	stream.indirect_vreg.gather [hbm4b:s24+s17], $0x80, v2, vm0, $0xb8;
	[tilespmem:$0xE080] =	vst v63  }
0x8c: {  	s25 =	simm.s32 $0xB880  }
0x8d: {  	[tilespmem:s25], [sflag:$0x3] =	stream.indirect_vreg.gather [hbm4b:s26+s17], $0x80, v2, vm0, $0xb8;
	[tilespmem:$0xE080] =	vst v63  }
0x8e: {  	s19 =	simm.s32 $0xC080  }
0x8f: {  	[tilespmem:s19], [sflag:$0x3] =	stream.indirect_vreg.gather [hbm4b:s28+s17], $0x80, v2, vm0, $0xb8;
	[tilespmem:$0xE080] =	vst v63  }
0x90: {  	s22 =	simm.s32 $0xC880  }
0x91: {  	[tilespmem:s22], [sflag:$0x3] =	stream.indirect_vreg.gather [hbm4b:s29+s17], $0x80, v2, vm0, $0xb8;
	[tilespmem:$0xE080] =	vst v63  }
0x92: {  	s23 =	simm.s32 $0xD080  }
0x93: {  	[tilespmem:s23], [sflag:$0x3] =	stream.indirect_vreg.gather [hbm4b:s30+s17], $0x80, v2, vm0, $0xb8;
	[tilespmem:$0xE080] =	vst v63  }
0x94: {  	s25 =	simm.s32 $0xD880  }
0x95: {  	[tilespmem:s25], [sflag:$0x3] =	stream.indirect_vreg.gather [hbm4b:s31+s17], $0x80, v2, vm0, $0xb8;
	[tilespmem:$0xE080] =	vst v63  }
0x96: {  	_ =	swait.ge [sflag:s5], $0x4000  }
0x97: {  	[sflag:s5] =	ssyncset.done $0x0  }
0x98: {  	s23 =	simm.s32 $0x20C0;
	[sflag:s5] =	ssyncadd.s32 $0xFFFFC000  }
.LBB2_4:
0x99: {  	v2 =	vmov s17;
	_ =	sdelay $0x4  }
0x9a: {  	v2 =	vld.idx.msk [tilespmem:v2+s3+$0x0], $0xffff;
	_ =	sdelay $0x4  }
0x9b: {  	v2 =	vxor.u32 $0x80000000, v2  }
0x9c: {  	(xrf0) =	vmax.scan.msk.u32 $0xffff, v2;
	_ =	sdelay $0x5  }
0x9d: {  	v2, _, _ =	vpop (xrf0)  }
0x9e: {  	(v2sf) =	vpush v2, $0xF;
	_ =	sdelay $0xa  }
0x9f: {  	v3 =	vld [tilespmem:s23+$0xFFFFFFD0]  }
0xa0: {  	v5 =	vld [tilespmem:s23+$0xFFFFFFE0]  }
0xa1: {  	v8 =	vld [tilespmem:s23+$0xFFFFFFF0]  }
0xa2: {  	v11 =	vld [tilespmem:s23+$0x0]  }
0xa3: {  	v12 =	vld [tilespmem:s23+$0x10];
	s9 =	spop (v2sf)  }
0xa4: {  	v13 =	vld [tilespmem:s23+$0x20];
	s9 =	sshll.u32 s9, $0xD  }
0xa5: {  	v2 =	vld [tilespmem:s23+$0x30];
	s9 =	sshra.s32 s9, $0x2  }
0xa6: {  	v10 =	vld [tilespmem:s23+$0xFFFFFFC0];
	s22 =	sadd.s32 $0x8C0, s9  }
0xa7: {  	v4 =	vld [tilespmem:s22+$0x30]  }
0xa8: {  	v14 =	vld [tilespmem:s22+$0xFFFFFFC0]  }
0xa9: {  	v15 =	vld [tilespmem:s22+$0xFFFFFFD0]  }
0xaa: {  	v2 =	vmul.f32 $4.525483320e+01, v2;
	v9 =	vld [tilespmem:s22+$0xFFFFFFE0]  }
0xab: {  	v16 =	vmul.f32 $4.525483320e+01, v3;
	v6 =	vmul.f32 $4.525483320e+01, v5;
	v7 =	vld [tilespmem:s22+$0xFFFFFFF0]  }
0xac: {  	v17 =	vmul.f32 $4.525483320e+01, v10;
	v5 =	vmul.f32 $4.525483320e+01, v11;
	v10 =	vld [tilespmem:s22+$0x0];
	v3 =	vadd.f32 v4, v2  }
0xad: {  	v4 =	vmul.f32 $4.525483320e+01, v8;
	v2 =	vmul.f32 $4.525483320e+01, v12;
	v8 =	vld [tilespmem:s22+$0x10]  }
0xae: {  	s25 =	sadd.s32 $0x400, s23;
	s19 =	smov.u32 s23;
	s9 =	simm.s32 $0x0;
	v11 =	vld [tilespmem:s22+$0x20];
	v12 =	vadd.f32 v15, v16;
	[tilespmem:s23+$0x30] =	vst v3;
	v3 =	vmul.f32 $4.525483320e+01, v13;
	v13 =	vadd.f32 v14, v17  }
.LBB2_5:
0xaf: {  	v14 =	vld [tilespmem:s25+$0x30];
	s9 =	sadd.s32 $0x8, s9;
	v6 =	vadd.f32 v9, v6  }
0xb0: {  	s22 =	sadd.s32 $0x80, s22;
	v9 =	vld [tilespmem:s25+$0xFFFFFFD0];
	p0 =	slt.u32 s9, $0x78;
	[tilespmem:s19+$0xFFFFFFC0] =	vst v13;
	v4 =	vadd.f32 v7, v4  }
0xb1: {  	v7 =	vld [tilespmem:s22+$0x30];
	[tilespmem:s19+$0xFFFFFFD0] =	vst v12;
	v5 =	vadd.f32 v10, v5  }
0xb2: {  	v10 =	vld [tilespmem:s25+$0xFFFFFFE0];
	[tilespmem:s19+$0xFFFFFFE0] =	vst v6;
	v2 =	vadd.f32 v8, v2  }
0xb3: {  	v8 =	vld [tilespmem:s25+$0xFFFFFFF0];
	[tilespmem:s19+$0xFFFFFFF0] =	vst v4;
	v3 =	vadd.f32 v11, v3  }
0xb4: {  	v11 =	vld [tilespmem:s25+$0x0];
	v4 =	vmul.f32 $4.525483320e+01, v14;
	[tilespmem:s19+$0x0] =	vst v5  }
0xb5: {  	v12 =	vmul.f32 $4.525483320e+01, v9;
	v13 =	vld [tilespmem:s25+$0x10];
	[tilespmem:s19+$0x10] =	vst v2  }
0xb6: {  	v14 =	vld [tilespmem:s25+$0x20];
	v2 =	vadd.f32 v7, v4;
	[tilespmem:s19+$0x20] =	vst v3;
	s19 =	smov.u32 s25  }
0xb7: {  	v15 =	vld [tilespmem:s25+$0xFFFFFFC0];
	v6 =	vmul.f32 $4.525483320e+01, v10  }
0xb8: {  	v16 =	vld [tilespmem:s22+$0xFFFFFFC0];
	v4 =	vmul.f32 $4.525483320e+01, v8;
	[tilespmem:s25+$0x30] =	vst v2  }
0xb9: {  	v17 =	vld [tilespmem:s22+$0xFFFFFFD0];
	v5 =	vmul.f32 $4.525483320e+01, v11  }
.Ltmp1:
0xba: {  	v9 =	vld [tilespmem:s22+$0xFFFFFFE0];
	v2 =	vmul.f32 $4.525483320e+01, v13;
	(pc) =	sbr.rel @p0 .LBB2_5-.Ltmp1, $4  }
0xbb: {  	v7 =	vld [tilespmem:s22+$0xFFFFFFF0];
	v3 =	vmul.f32 $4.525483320e+01, v14  }
0xbc: {  	v11 =	vmul.f32 $4.525483320e+01, v15;
	v10 =	vld [tilespmem:s22+$0x0]  }
0xbd: {  	v8 =	vld [tilespmem:s22+$0x10]  }
0xbe: {  	s25 =	sadd.s32 $0x400, s25;
	v13 =	vadd.f32 v16, v11;
	v12 =	vadd.f32 v17, v12;
	v11 =	vld [tilespmem:s22+$0x20]  }
0xbf: {  	_ = 	snop  }
0xc0: {  	v6 =	vadd.f32 v9, v6;
	s17 =	sadd.s32 $0x1, s17;
	[tilespmem:s19+$0xFFFFFFC0] =	vst v13  }
0xc1: {  	v4 =	vadd.f32 v7, v4;
	[tilespmem:s19+$0xFFFFFFD0] =	vst v12;
	p0 =	sne.s32 s17, $0x8  }
.Ltmp2:
0xc2: {  	v5 =	vadd.f32 v10, v5;
	[tilespmem:s19+$0xFFFFFFE0] =	vst v6;
	(pc) =	sbr.rel @p0 .LBB2_4-.Ltmp2, $4  }
0xc3: {  	v2 =	vadd.f32 v8, v2;
	[tilespmem:s19+$0xFFFFFFF0] =	vst v4  }
0xc4: {  	v3 =	vadd.f32 v11, v3;
	[tilespmem:s19+$0x0] =	vst v5  }
0xc5: {  	[tilespmem:s19+$0x10] =	vst v2  }
0xc6: {  	s23 =	sadd.s32 $0x80, s23;
	[tilespmem:s19+$0x20] =	vst v3  }
0xc7: {  	s17 =	simm.s32 $0x0;
	s9 =	rddreg [dreg:$0xb]  }
0xc8: {  	[hbm4b:s9+s17] =	stream.linear.scatter [tilespmem:s0], [sflag:$0x4], $0x4000, $0x38;
	[tilespmem:$0xE080] =	vst v63  }
0xc9: {  	_ =	swait.ge [sflag:s1], $0x4000  }
0xca: {  	[sflag:s1] =	ssyncset.done $0x0  }
0xcb: {  	s19 =	rddreg [dreg:$0xc];
	[sflag:s1] =	ssyncadd.s32 $0xFFFFC000  }
0xcc: {  	v2 =	vld.msk [tilespmem:s19+$0x0], $0xff;
	_ =	sdelay $0x4  }
0xcd: {  	v3 =	vshll.u32 v2, $0x4  }
0xce: {  	v2 =	vand.u32 $0x7, v2;
	v3 =	vand.u32 $0xFFFFFF80, v3  }
0xcf: {  	v2 =	vor.u32 v2, v3  }
0xd0: {  	v2 =	vperm.xlane v2, v0;
	_ =	sdelay $0x1  }
0xd1: {  	v2 =	vadd.s32 v1, v2;
	_ =	sdelay $0x4  }
0xd2: {  	[tilespmem:s0], [sflag:$0x1] =	stream.indirect_vreg.gather [hbm4b:s2+s17], $0x80, v2, vm0, $0xb8;
	[tilespmem:$0xE080] =	vst v63  }
0xd3: {  	s22 =	simm.s32 $0x2880  }
0xd4: {  	[tilespmem:s22], [sflag:$0x1] =	stream.indirect_vreg.gather [hbm4b:s8+s17], $0x80, v2, vm0, $0xb8;
	[tilespmem:$0xE080] =	vst v63  }
0xd5: {  	s23 =	simm.s32 $0x3080  }
0xd6: {  	[tilespmem:s23], [sflag:$0x1] =	stream.indirect_vreg.gather [hbm4b:s24+s17], $0x80, v2, vm0, $0xb8;
	[tilespmem:$0xE080] =	vst v63  }
0xd7: {  	s25 =	simm.s32 $0x3880  }
0xd8: {  	[tilespmem:s25], [sflag:$0x1] =	stream.indirect_vreg.gather [hbm4b:s26+s17], $0x80, v2, vm0, $0xb8;
	[tilespmem:$0xE080] =	vst v63  }
0xd9: {  	s19 =	simm.s32 $0x4080  }
0xda: {  	[tilespmem:s19], [sflag:$0x1] =	stream.indirect_vreg.gather [hbm4b:s28+s17], $0x80, v2, vm0, $0xb8;
	[tilespmem:$0xE080] =	vst v63  }
0xdb: {  	s22 =	simm.s32 $0x4880  }
0xdc: {  	[tilespmem:s22], [sflag:$0x1] =	stream.indirect_vreg.gather [hbm4b:s29+s17], $0x80, v2, vm0, $0xb8;
	[tilespmem:$0xE080] =	vst v63  }
0xdd: {  	s23 =	simm.s32 $0x5080  }
0xde: {  	[tilespmem:s23], [sflag:$0x1] =	stream.indirect_vreg.gather [hbm4b:s30+s17], $0x80, v2, vm0, $0xb8;
	[tilespmem:$0xE080] =	vst v63  }
0xdf: {  	s25 =	simm.s32 $0x5880  }
0xe0: {  	[tilespmem:s25], [sflag:$0x1] =	stream.indirect_vreg.gather [hbm4b:s31+s17], $0x80, v2, vm0, $0xb8;
	[tilespmem:$0xE080] =	vst v63  }
0xe1: {  	_ =	swait.ge [sflag:s6], $0x4000  }
0xe2: {  	[sflag:s6] =	ssyncset.done $0x0  }
0xe3: {  	s19 =	simm.s32 $0x60F0;
	[sflag:s6] =	ssyncadd.s32 $0xFFFFC000  }
.LBB2_8:
0xe4: {  	s9 =	sor.u32 $0x8, s17  }
0xe5: {  	v2 =	vmov s9;
	_ =	sdelay $0x4  }
0xe6: {  	v2 =	vld.idx.msk [tilespmem:v2+s3+$0x0], $0xffff;
	_ =	sdelay $0x4  }
0xe7: {  	v2 =	vxor.u32 $0x80000000, v2  }
0xe8: {  	(xrf0) =	vmax.scan.msk.u32 $0xffff, v2;
	_ =	sdelay $0x5  }
0xe9: {  	v2, _, _ =	vpop (xrf0)  }
0xea: {  	(v2sf) =	vpush v2, $0xF;
	_ =	sdelay $0xa  }
0xeb: {  	v3 =	vld [tilespmem:s19+$0xFFFFFFA0]  }
0xec: {  	v5 =	vld [tilespmem:s19+$0xFFFFFFB0]  }
0xed: {  	v8 =	vld [tilespmem:s19+$0xFFFFFFC0]  }
0xee: {  	v11 =	vld [tilespmem:s19+$0xFFFFFFD0]  }
0xef: {  	v12 =	vld [tilespmem:s19+$0xFFFFFFE0];
	s25 =	spop (v2sf)  }
0xf0: {  	v13 =	vld [tilespmem:s19+$0xFFFFFFF0];
	s9 =	sshll.u32 s25, $0xD  }
0xf1: {  	v2 =	vld [tilespmem:s19+$0x0];
	s9 =	sshra.s32 s9, $0x2  }
0xf2: {  	v10 =	vld [tilespmem:s19+$0xFFFFFF90];
	s22 =	sadd.s32 $0x8C0, s9  }
0xf3: {  	v4 =	vld [tilespmem:s22+$0x30]  }
0xf4: {  	v14 =	vld [tilespmem:s22+$0xFFFFFFC0]  }
0xf5: {  	v15 =	vld [tilespmem:s22+$0xFFFFFFD0]  }
0xf6: {  	v2 =	vmul.f32 $4.525483320e+01, v2;
	v9 =	vld [tilespmem:s22+$0xFFFFFFE0]  }
0xf7: {  	v16 =	vmul.f32 $4.525483320e+01, v3;
	v6 =	vmul.f32 $4.525483320e+01, v5;
	v7 =	vld [tilespmem:s22+$0xFFFFFFF0]  }
0xf8: {  	v17 =	vmul.f32 $4.525483320e+01, v10;
	v5 =	vmul.f32 $4.525483320e+01, v11;
	v10 =	vld [tilespmem:s22+$0x0];
	v3 =	vadd.f32 v4, v2  }
0xf9: {  	v4 =	vmul.f32 $4.525483320e+01, v8;
	v2 =	vmul.f32 $4.525483320e+01, v12;
	v8 =	vld [tilespmem:s22+$0x10]  }
0xfa: {  	s23 =	smov.u32 s19;
	s25 =	sadd.s32 $0x400, s19;
	s9 =	simm.s32 $0x0;
	v11 =	vld [tilespmem:s22+$0x20];
	v12 =	vadd.f32 v15, v16;
	[tilespmem:s19+$0x0] =	vst v3;
	v3 =	vmul.f32 $4.525483320e+01, v13;
	v13 =	vadd.f32 v14, v17  }
.LBB2_9:
0xfb: {  	v14 =	vld [tilespmem:s25+$0x0];
	s9 =	sadd.s32 $0x8, s9;
	v6 =	vadd.f32 v9, v6  }
0xfc: {  	s22 =	sadd.s32 $0x80, s22;
	v9 =	vld [tilespmem:s25+$0xFFFFFFA0];
	p0 =	slt.u32 s9, $0x78;
	[tilespmem:s23+$0xFFFFFF90] =	vst v13;
	v4 =	vadd.f32 v7, v4  }
0xfd: {  	v7 =	vld [tilespmem:s22+$0x30];
	[tilespmem:s23+$0xFFFFFFA0] =	vst v12;
	v5 =	vadd.f32 v10, v5  }
0xfe: {  	v10 =	vld [tilespmem:s25+$0xFFFFFFB0];
	[tilespmem:s23+$0xFFFFFFB0] =	vst v6;
	v2 =	vadd.f32 v8, v2  }
0xff: {  	v8 =	vld [tilespmem:s25+$0xFFFFFFC0];
	[tilespmem:s23+$0xFFFFFFC0] =	vst v4;
	v3 =	vadd.f32 v11, v3  }
0x100: {  	v11 =	vld [tilespmem:s25+$0xFFFFFFD0];
	v4 =	vmul.f32 $4.525483320e+01, v14;
	[tilespmem:s23+$0xFFFFFFD0] =	vst v5  }
0x101: {  	v12 =	vmul.f32 $4.525483320e+01, v9;
	v13 =	vld [tilespmem:s25+$0xFFFFFFE0];
	[tilespmem:s23+$0xFFFFFFE0] =	vst v2  }
0x102: {  	v14 =	vld [tilespmem:s25+$0xFFFFFFF0];
	v2 =	vadd.f32 v7, v4;
	[tilespmem:s23+$0xFFFFFFF0] =	vst v3;
	s23 =	smov.u32 s25  }
0x103: {  	v15 =	vld [tilespmem:s25+$0xFFFFFF90];
	v6 =	vmul.f32 $4.525483320e+01, v10  }
0x104: {  	v16 =	vld [tilespmem:s22+$0xFFFFFFC0];
	v4 =	vmul.f32 $4.525483320e+01, v8;
	[tilespmem:s25+$0x0] =	vst v2  }
0x105: {  	v17 =	vld [tilespmem:s22+$0xFFFFFFD0];
	v5 =	vmul.f32 $4.525483320e+01, v11  }
.Ltmp3:
0x106: {  	v9 =	vld [tilespmem:s22+$0xFFFFFFE0];
	v2 =	vmul.f32 $4.525483320e+01, v13;
	(pc) =	sbr.rel @p0 .LBB2_9-.Ltmp3, $4  }
0x107: {  	v7 =	vld [tilespmem:s22+$0xFFFFFFF0];
	v3 =	vmul.f32 $4.525483320e+01, v14  }
0x108: {  	v11 =	vmul.f32 $4.525483320e+01, v15;
	v10 =	vld [tilespmem:s22+$0x0]  }
0x109: {  	v8 =	vld [tilespmem:s22+$0x10]  }
0x10a: {  	s25 =	sadd.s32 $0x400, s25;
	v13 =	vadd.f32 v16, v11;
	v12 =	vadd.f32 v17, v12;
	v11 =	vld [tilespmem:s22+$0x20]  }
0x10b: {  	_ = 	snop  }
0x10c: {  	v6 =	vadd.f32 v9, v6;
	s17 =	sadd.s32 $0x1, s17;
	[tilespmem:s23+$0xFFFFFF90] =	vst v13  }
0x10d: {  	v4 =	vadd.f32 v7, v4;
	[tilespmem:s23+$0xFFFFFFA0] =	vst v12;
	p0 =	sne.s32 s17, $0x8  }
.Ltmp4:
0x10e: {  	v5 =	vadd.f32 v10, v5;
	[tilespmem:s23+$0xFFFFFFB0] =	vst v6;
	(pc) =	sbr.rel @p0 .LBB2_8-.Ltmp4, $4  }
0x10f: {  	v2 =	vadd.f32 v8, v2;
	[tilespmem:s23+$0xFFFFFFC0] =	vst v4  }
0x110: {  	v3 =	vadd.f32 v11, v3;
	[tilespmem:s23+$0xFFFFFFD0] =	vst v5  }
0x111: {  	[tilespmem:s23+$0xFFFFFFE0] =	vst v2  }
0x112: {  	s19 =	sadd.s32 $0x80, s19;
	[tilespmem:s23+$0xFFFFFFF0] =	vst v3  }
0x113: {  	s17 =	simm.s32 $0x0;
	s9 =	rddreg [dreg:$0xd]  }
0x114: {  	[hbm4b:s9+s17] =	stream.linear.scatter [tilespmem:s21], [sflag:$0x5], $0x4000, $0x38;
	[tilespmem:$0xE080] =	vst v63  }
0x115: {  	_ =	swait.ge [sflag:s7], $0x4000  }
0x116: {  	[sflag:s7] =	ssyncset.done $0x0  }
0x117: {  	s25 =	rddreg [dreg:$0xe];
	[sflag:s7] =	ssyncadd.s32 $0xFFFFC000  }
0x118: {  	v2 =	vld.msk [tilespmem:s25+$0x0], $0xff;
	_ =	sdelay $0x4  }
0x119: {  	v3 =	vshll.u32 v2, $0x4  }
0x11a: {  	v2 =	vand.u32 $0x7, v2;
	v3 =	vand.u32 $0xFFFFFF80, v3  }
0x11b: {  	v2 =	vor.u32 v2, v3  }
0x11c: {  	v2 =	vperm.xlane v2, v0;
	_ =	sdelay $0x1  }
0x11d: {  	v2 =	vadd.s32 v1, v2;
	_ =	sdelay $0x4  }
0x11e: {  	[tilespmem:s21], [sflag:$0x2] =	stream.indirect_vreg.gather [hbm4b:s2+s17], $0x80, v2, vm0, $0xb8;
	[tilespmem:$0xE080] =	vst v63  }
0x11f: {  	s19 =	simm.s32 $0x6880  }
0x120: {  	[tilespmem:s19], [sflag:$0x2] =	stream.indirect_vreg.gather [hbm4b:s8+s17], $0x80, v2, vm0, $0xb8;
	[tilespmem:$0xE080] =	vst v63  }
0x121: {  	s22 =	simm.s32 $0x7080  }
0x122: {  	[tilespmem:s22], [sflag:$0x2] =	stream.indirect_vreg.gather [hbm4b:s24+s17], $0x80, v2, vm0, $0xb8;
	[tilespmem:$0xE080] =	vst v63  }
0x123: {  	s23 =	simm.s32 $0x7880  }
0x124: {  	[tilespmem:s23], [sflag:$0x2] =	stream.indirect_vreg.gather [hbm4b:s26+s17], $0x80, v2, vm0, $0xb8;
	[tilespmem:$0xE080] =	vst v63  }
0x125: {  	s25 =	simm.s32 $0x8080  }
0x126: {  	[tilespmem:s25], [sflag:$0x2] =	stream.indirect_vreg.gather [hbm4b:s28+s17], $0x80, v2, vm0, $0xb8;
	[tilespmem:$0xE080] =	vst v63  }
0x127: {  	_ = 	snop  }
0x128: {  	[tilespmem:s10], [sflag:$0x2] =	stream.indirect_vreg.gather [hbm4b:s29+s17], $0x80, v2, vm0, $0xb8;
	[tilespmem:$0xE080] =	vst v63  }
0x129: {  	_ = 	snop  }
0x12a: {  	[tilespmem:s12], [sflag:$0x2] =	stream.indirect_vreg.gather [hbm4b:s30+s17], $0x80, v2, vm0, $0xb8;
	[tilespmem:$0xE080] =	vst v63  }
0x12b: {  	_ = 	snop  }
0x12c: {  	[tilespmem:s14], [sflag:$0x2] =	stream.indirect_vreg.gather [hbm4b:s31+s17], $0x80, v2, vm0, $0xb8;
	[tilespmem:$0xE080] =	vst v63  }
0x12d: {  	_ =	swait.ge [sflag:s11], $0x4000  }
0x12e: {  	[sflag:s11] =	ssyncset.done $0x0  }
0x12f: {  	s19 =	simm.s32 $0xA0F0;
	[sflag:s11] =	ssyncadd.s32 $0xFFFFC000  }
.LBB2_12:
0x130: {  	s9 =	sor.u32 $0x10, s17  }
0x131: {  	v2 =	vmov s9;
	_ =	sdelay $0x4  }
0x132: {  	v2 =	vld.idx.msk [tilespmem:v2+s3+$0x0], $0xffff;
	_ =	sdelay $0x4  }
0x133: {  	v2 =	vxor.u32 $0x80000000, v2  }
0x134: {  	(xrf0) =	vmax.scan.msk.u32 $0xffff, v2;
	_ =	sdelay $0x5  }
0x135: {  	v2, _, _ =	vpop (xrf0)  }
0x136: {  	(v2sf) =	vpush v2, $0xF;
	_ =	sdelay $0xa  }
0x137: {  	v3 =	vld [tilespmem:s19+$0xFFFFFFA0]  }
0x138: {  	v5 =	vld [tilespmem:s19+$0xFFFFFFB0]  }
0x139: {  	v8 =	vld [tilespmem:s19+$0xFFFFFFC0]  }
0x13a: {  	v11 =	vld [tilespmem:s19+$0xFFFFFFD0]  }
0x13b: {  	v12 =	vld [tilespmem:s19+$0xFFFFFFE0];
	s25 =	spop (v2sf)  }
0x13c: {  	v13 =	vld [tilespmem:s19+$0xFFFFFFF0];
	s9 =	sshll.u32 s25, $0xD  }
0x13d: {  	v2 =	vld [tilespmem:s19+$0x0];
	s9 =	sshra.s32 s9, $0x2  }
0x13e: {  	v10 =	vld [tilespmem:s19+$0xFFFFFF90];
	s22 =	sadd.s32 $0x8C0, s9  }
0x13f: {  	v4 =	vld [tilespmem:s22+$0x30]  }
0x140: {  	v14 =	vld [tilespmem:s22+$0xFFFFFFC0]  }
0x141: {  	v15 =	vld [tilespmem:s22+$0xFFFFFFD0]  }
0x142: {  	v2 =	vmul.f32 $4.525483320e+01, v2;
	v9 =	vld [tilespmem:s22+$0xFFFFFFE0]  }
0x143: {  	v16 =	vmul.f32 $4.525483320e+01, v3;
	v6 =	vmul.f32 $4.525483320e+01, v5;
	v7 =	vld [tilespmem:s22+$0xFFFFFFF0]  }
0x144: {  	v17 =	vmul.f32 $4.525483320e+01, v10;
	v5 =	vmul.f32 $4.525483320e+01, v11;
	v10 =	vld [tilespmem:s22+$0x0];
	v3 =	vadd.f32 v4, v2  }
0x145: {  	v4 =	vmul.f32 $4.525483320e+01, v8;
	v2 =	vmul.f32 $4.525483320e+01, v12;
	v8 =	vld [tilespmem:s22+$0x10]  }
0x146: {  	s23 =	smov.u32 s19;
	s25 =	sadd.s32 $0x400, s19;
	s9 =	simm.s32 $0x0;
	v11 =	vld [tilespmem:s22+$0x20];
	v12 =	vadd.f32 v15, v16;
	[tilespmem:s19+$0x0] =	vst v3;
	v3 =	vmul.f32 $4.525483320e+01, v13;
	v13 =	vadd.f32 v14, v17  }
.LBB2_13:
0x147: {  	v14 =	vld [tilespmem:s25+$0x0];
	s9 =	sadd.s32 $0x8, s9;
	v6 =	vadd.f32 v9, v6  }
0x148: {  	s22 =	sadd.s32 $0x80, s22;
	v9 =	vld [tilespmem:s25+$0xFFFFFFA0];
	p0 =	slt.u32 s9, $0x78;
	[tilespmem:s23+$0xFFFFFF90] =	vst v13;
	v4 =	vadd.f32 v7, v4  }
0x149: {  	v7 =	vld [tilespmem:s22+$0x30];
	[tilespmem:s23+$0xFFFFFFA0] =	vst v12;
	v5 =	vadd.f32 v10, v5  }
0x14a: {  	v10 =	vld [tilespmem:s25+$0xFFFFFFB0];
	[tilespmem:s23+$0xFFFFFFB0] =	vst v6;
	v2 =	vadd.f32 v8, v2  }
0x14b: {  	v8 =	vld [tilespmem:s25+$0xFFFFFFC0];
	[tilespmem:s23+$0xFFFFFFC0] =	vst v4;
	v3 =	vadd.f32 v11, v3  }
0x14c: {  	v11 =	vld [tilespmem:s25+$0xFFFFFFD0];
	v4 =	vmul.f32 $4.525483320e+01, v14;
	[tilespmem:s23+$0xFFFFFFD0] =	vst v5  }
0x14d: {  	v12 =	vmul.f32 $4.525483320e+01, v9;
	v13 =	vld [tilespmem:s25+$0xFFFFFFE0];
	[tilespmem:s23+$0xFFFFFFE0] =	vst v2  }
0x14e: {  	v14 =	vld [tilespmem:s25+$0xFFFFFFF0];
	v2 =	vadd.f32 v7, v4;
	[tilespmem:s23+$0xFFFFFFF0] =	vst v3;
	s23 =	smov.u32 s25  }
0x14f: {  	v15 =	vld [tilespmem:s25+$0xFFFFFF90];
	v6 =	vmul.f32 $4.525483320e+01, v10  }
0x150: {  	v16 =	vld [tilespmem:s22+$0xFFFFFFC0];
	v4 =	vmul.f32 $4.525483320e+01, v8;
	[tilespmem:s25+$0x0] =	vst v2  }
0x151: {  	v17 =	vld [tilespmem:s22+$0xFFFFFFD0];
	v5 =	vmul.f32 $4.525483320e+01, v11  }
.Ltmp5:
0x152: {  	v9 =	vld [tilespmem:s22+$0xFFFFFFE0];
	v2 =	vmul.f32 $4.525483320e+01, v13;
	(pc) =	sbr.rel @p0 .LBB2_13-.Ltmp5, $4  }
0x153: {  	v7 =	vld [tilespmem:s22+$0xFFFFFFF0];
	v3 =	vmul.f32 $4.525483320e+01, v14  }
0x154: {  	v11 =	vmul.f32 $4.525483320e+01, v15;
	v10 =	vld [tilespmem:s22+$0x0]  }
0x155: {  	v8 =	vld [tilespmem:s22+$0x10]  }
0x156: {  	s25 =	sadd.s32 $0x400, s25;
	v13 =	vadd.f32 v16, v11;
	v12 =	vadd.f32 v17, v12;
	v11 =	vld [tilespmem:s22+$0x20]  }
0x157: {  	_ = 	snop  }
0x158: {  	v6 =	vadd.f32 v9, v6;
	s17 =	sadd.s32 $0x1, s17;
	[tilespmem:s23+$0xFFFFFF90] =	vst v13  }
0x159: {  	v4 =	vadd.f32 v7, v4;
	[tilespmem:s23+$0xFFFFFFA0] =	vst v12;
	p0 =	sne.s32 s17, $0x8  }
.Ltmp6:
0x15a: {  	v5 =	vadd.f32 v10, v5;
	[tilespmem:s23+$0xFFFFFFB0] =	vst v6;
	(pc) =	sbr.rel @p0 .LBB2_12-.Ltmp6, $4  }
0x15b: {  	v2 =	vadd.f32 v8, v2;
	[tilespmem:s23+$0xFFFFFFC0] =	vst v4  }
0x15c: {  	v3 =	vadd.f32 v11, v3;
	[tilespmem:s23+$0xFFFFFFD0] =	vst v5  }
0x15d: {  	[tilespmem:s23+$0xFFFFFFE0] =	vst v2  }
0x15e: {  	s19 =	sadd.s32 $0x80, s19;
	[tilespmem:s23+$0xFFFFFFF0] =	vst v3  }
0x15f: {  	s17 =	simm.s32 $0x0;
	s9 =	rddreg [dreg:$0xf]  }
0x160: {  	[hbm4b:s9+s17] =	stream.linear.scatter [tilespmem:s20], [sflag:$0x6], $0x4000, $0x38;
	[tilespmem:$0xE080] =	vst v63  }
0x161: {  	_ =	swait.ge [sflag:s13], $0x4000  }
0x162: {  	[sflag:s13] =	ssyncset.done $0x0  }
0x163: {  	s19 =	rddreg [dreg:$0x10];
	[sflag:s13] =	ssyncadd.s32 $0xFFFFC000  }
0x164: {  	v2 =	vld.msk [tilespmem:s19+$0x0], $0xff;
	_ =	sdelay $0x4  }
0x165: {  	v3 =	vshll.u32 v2, $0x4  }
0x166: {  	v2 =	vand.u32 $0x7, v2;
	v3 =	vand.u32 $0xFFFFFF80, v3  }
0x167: {  	v2 =	vor.u32 v2, v3  }
0x168: {  	v2 =	vperm.xlane v2, v0;
	_ =	sdelay $0x1  }
0x169: {  	v2 =	vadd.s32 v1, v2;
	_ =	sdelay $0x4  }
0x16a: {  	[tilespmem:s20], [sflag:$0x3] =	stream.indirect_vreg.gather [hbm4b:s2+s17], $0x80, v2, vm0, $0xb8;
	[tilespmem:$0xE080] =	vst v63  }
0x16b: {  	s22 =	simm.s32 $0xA880  }
0x16c: {  	[tilespmem:s22], [sflag:$0x3] =	stream.indirect_vreg.gather [hbm4b:s8+s17], $0x80, v2, vm0, $0xb8;
	[tilespmem:$0xE080] =	vst v63  }
0x16d: {  	s23 =	simm.s32 $0xB080  }
0x16e: {  	[tilespmem:s23], [sflag:$0x3] =	stream.indirect_vreg.gather [hbm4b:s24+s17], $0x80, v2, vm0, $0xb8;
	[tilespmem:$0xE080] =	vst v63  }
0x16f: {  	s25 =	simm.s32 $0xB880  }
0x170: {  	[tilespmem:s25], [sflag:$0x3] =	stream.indirect_vreg.gather [hbm4b:s26+s17], $0x80, v2, vm0, $0xb8;
	[tilespmem:$0xE080] =	vst v63  }
0x171: {  	s19 =	simm.s32 $0xC080  }
0x172: {  	[tilespmem:s19], [sflag:$0x3] =	stream.indirect_vreg.gather [hbm4b:s28+s17], $0x80, v2, vm0, $0xb8;
	[tilespmem:$0xE080] =	vst v63  }
0x173: {  	s22 =	simm.s32 $0xC880  }
0x174: {  	[tilespmem:s22], [sflag:$0x3] =	stream.indirect_vreg.gather [hbm4b:s29+s17], $0x80, v2, vm0, $0xb8;
	[tilespmem:$0xE080] =	vst v63  }
0x175: {  	s23 =	simm.s32 $0xD080  }
0x176: {  	[tilespmem:s23], [sflag:$0x3] =	stream.indirect_vreg.gather [hbm4b:s30+s17], $0x80, v2, vm0, $0xb8;
	[tilespmem:$0xE080] =	vst v63  }
0x177: {  	s25 =	simm.s32 $0xD880  }
0x178: {  	[tilespmem:s25], [sflag:$0x3] =	stream.indirect_vreg.gather [hbm4b:s31+s17], $0x80, v2, vm0, $0xb8;
	[tilespmem:$0xE080] =	vst v63  }
0x179: {  	_ =	swait.ge [sflag:s5], $0x4000  }
0x17a: {  	[sflag:s5] =	ssyncset.done $0x0  }
0x17b: {  	s19 =	simm.s32 $0x20C0;
	[sflag:s5] =	ssyncadd.s32 $0xFFFFC000  }
.LBB2_16:
0x17c: {  	s9 =	sor.u32 $0x18, s17  }
0x17d: {  	v2 =	vmov s9;
	_ =	sdelay $0x4  }
0x17e: {  	v2 =	vld.idx.msk [tilespmem:v2+s3+$0x0], $0xffff;
	_ =	sdelay $0x4  }
0x17f: {  	v2 =	vxor.u32 $0x80000000, v2  }
0x180: {  	(xrf0) =	vmax.scan.msk.u32 $0xffff, v2;
	_ =	sdelay $0x5  }
0x181: {  	v2, _, _ =	vpop (xrf0)  }
0x182: {  	(v2sf) =	vpush v2, $0xF;
	_ =	sdelay $0xa  }
0x183: {  	v3 =	vld [tilespmem:s19+$0xFFFFFFD0]  }
0x184: {  	v5 =	vld [tilespmem:s19+$0xFFFFFFE0]  }
0x185: {  	v8 =	vld [tilespmem:s19+$0xFFFFFFF0]  }
0x186: {  	v11 =	vld [tilespmem:s19+$0x0]  }
0x187: {  	v12 =	vld [tilespmem:s19+$0x10];
	s25 =	spop (v2sf)  }
0x188: {  	v13 =	vld [tilespmem:s19+$0x20];
	s9 =	sshll.u32 s25, $0xD  }
0x189: {  	v2 =	vld [tilespmem:s19+$0x30];
	s9 =	sshra.s32 s9, $0x2  }
0x18a: {  	v10 =	vld [tilespmem:s19+$0xFFFFFFC0];
	s22 =	sadd.s32 $0x8C0, s9  }
0x18b: {  	v4 =	vld [tilespmem:s22+$0x30]  }
0x18c: {  	v14 =	vld [tilespmem:s22+$0xFFFFFFC0]  }
0x18d: {  	v15 =	vld [tilespmem:s22+$0xFFFFFFD0]  }
0x18e: {  	v2 =	vmul.f32 $4.525483320e+01, v2;
	v9 =	vld [tilespmem:s22+$0xFFFFFFE0]  }
0x18f: {  	v16 =	vmul.f32 $4.525483320e+01, v3;
	v6 =	vmul.f32 $4.525483320e+01, v5;
	v7 =	vld [tilespmem:s22+$0xFFFFFFF0]  }
0x190: {  	v17 =	vmul.f32 $4.525483320e+01, v10;
	v5 =	vmul.f32 $4.525483320e+01, v11;
	v10 =	vld [tilespmem:s22+$0x0];
	v3 =	vadd.f32 v4, v2  }
0x191: {  	v4 =	vmul.f32 $4.525483320e+01, v8;
	v2 =	vmul.f32 $4.525483320e+01, v12;
	v8 =	vld [tilespmem:s22+$0x10]  }
0x192: {  	s23 =	smov.u32 s19;
	s25 =	sadd.s32 $0x400, s19;
	s9 =	simm.s32 $0x0;
	v11 =	vld [tilespmem:s22+$0x20];
	v12 =	vadd.f32 v15, v16;
	[tilespmem:s19+$0x30] =	vst v3;
	v3 =	vmul.f32 $4.525483320e+01, v13;
	v13 =	vadd.f32 v14, v17  }
.LBB2_17:
0x193: {  	v14 =	vld [tilespmem:s25+$0x30];
	s9 =	sadd.s32 $0x8, s9;
	v6 =	vadd.f32 v9, v6  }
0x194: {  	s22 =	sadd.s32 $0x80, s22;
	v9 =	vld [tilespmem:s25+$0xFFFFFFD0];
	p0 =	slt.u32 s9, $0x78;
	[tilespmem:s23+$0xFFFFFFC0] =	vst v13;
	v4 =	vadd.f32 v7, v4  }
0x195: {  	v7 =	vld [tilespmem:s22+$0x30];
	[tilespmem:s23+$0xFFFFFFD0] =	vst v12;
	v5 =	vadd.f32 v10, v5  }
0x196: {  	v10 =	vld [tilespmem:s25+$0xFFFFFFE0];
	[tilespmem:s23+$0xFFFFFFE0] =	vst v6;
	v2 =	vadd.f32 v8, v2  }
0x197: {  	v8 =	vld [tilespmem:s25+$0xFFFFFFF0];
	[tilespmem:s23+$0xFFFFFFF0] =	vst v4;
	v3 =	vadd.f32 v11, v3  }
0x198: {  	v11 =	vld [tilespmem:s25+$0x0];
	v4 =	vmul.f32 $4.525483320e+01, v14;
	[tilespmem:s23+$0x0] =	vst v5  }
0x199: {  	v12 =	vmul.f32 $4.525483320e+01, v9;
	v13 =	vld [tilespmem:s25+$0x10];
	[tilespmem:s23+$0x10] =	vst v2  }
0x19a: {  	v14 =	vld [tilespmem:s25+$0x20];
	v2 =	vadd.f32 v7, v4;
	[tilespmem:s23+$0x20] =	vst v3;
	s23 =	smov.u32 s25  }
0x19b: {  	v15 =	vld [tilespmem:s25+$0xFFFFFFC0];
	v6 =	vmul.f32 $4.525483320e+01, v10  }
0x19c: {  	v16 =	vld [tilespmem:s22+$0xFFFFFFC0];
	v4 =	vmul.f32 $4.525483320e+01, v8;
	[tilespmem:s25+$0x30] =	vst v2  }
0x19d: {  	v17 =	vld [tilespmem:s22+$0xFFFFFFD0];
	v5 =	vmul.f32 $4.525483320e+01, v11  }
.Ltmp7:
0x19e: {  	v9 =	vld [tilespmem:s22+$0xFFFFFFE0];
	v2 =	vmul.f32 $4.525483320e+01, v13;
	(pc) =	sbr.rel @p0 .LBB2_17-.Ltmp7, $4  }
0x19f: {  	v7 =	vld [tilespmem:s22+$0xFFFFFFF0];
	v3 =	vmul.f32 $4.525483320e+01, v14  }
0x1a0: {  	v11 =	vmul.f32 $4.525483320e+01, v15;
	v10 =	vld [tilespmem:s22+$0x0]  }
0x1a1: {  	v8 =	vld [tilespmem:s22+$0x10]  }
0x1a2: {  	s25 =	sadd.s32 $0x400, s25;
	v13 =	vadd.f32 v16, v11;
	v12 =	vadd.f32 v17, v12;
	v11 =	vld [tilespmem:s22+$0x20]  }
0x1a3: {  	_ = 	snop  }
0x1a4: {  	v6 =	vadd.f32 v9, v6;
	s17 =	sadd.s32 $0x1, s17;
	[tilespmem:s23+$0xFFFFFFC0] =	vst v13  }
0x1a5: {  	v4 =	vadd.f32 v7, v4;
	[tilespmem:s23+$0xFFFFFFD0] =	vst v12;
	p0 =	sne.s32 s17, $0x8  }
.Ltmp8:
0x1a6: {  	v5 =	vadd.f32 v10, v5;
	[tilespmem:s23+$0xFFFFFFE0] =	vst v6;
	(pc) =	sbr.rel @p0 .LBB2_16-.Ltmp8, $4  }
0x1a7: {  	v2 =	vadd.f32 v8, v2;
	[tilespmem:s23+$0xFFFFFFF0] =	vst v4  }
0x1a8: {  	v3 =	vadd.f32 v11, v3;
	[tilespmem:s23+$0x0] =	vst v5  }
0x1a9: {  	[tilespmem:s23+$0x10] =	vst v2  }
0x1aa: {  	s19 =	sadd.s32 $0x80, s19;
	[tilespmem:s23+$0x20] =	vst v3  }
0x1ab: {  	s17 =	simm.s32 $0x0;
	s9 =	rddreg [dreg:$0x11]  }
0x1ac: {  	[hbm4b:s9+s17] =	stream.linear.scatter [tilespmem:s0], [sflag:$0x4], $0x4000, $0x38;
	[tilespmem:$0xE080] =	vst v63  }
0x1ad: {  	_ =	swait.ge [sflag:s1], $0x4000  }
0x1ae: {  	[sflag:s1] =	ssyncset.done $0x0  }
0x1af: {  	s19 =	rddreg [dreg:$0x12];
	[sflag:s1] =	ssyncadd.s32 $0xFFFFC000  }
0x1b0: {  	v2 =	vld.msk [tilespmem:s19+$0x0], $0xff;
	_ =	sdelay $0x4  }
0x1b1: {  	v3 =	vshll.u32 v2, $0x4  }
0x1b2: {  	v2 =	vand.u32 $0x7, v2;
	v3 =	vand.u32 $0xFFFFFF80, v3  }
0x1b3: {  	v2 =	vor.u32 v2, v3  }
0x1b4: {  	v2 =	vperm.xlane v2, v0;
	_ =	sdelay $0x1  }
0x1b5: {  	v2 =	vadd.s32 v1, v2;
	_ =	sdelay $0x4  }
0x1b6: {  	[tilespmem:s0], [sflag:$0x1] =	stream.indirect_vreg.gather [hbm4b:s2+s17], $0x80, v2, vm0, $0xb8;
	[tilespmem:$0xE080] =	vst v63  }
0x1b7: {  	s22 =	simm.s32 $0x2880  }
0x1b8: {  	[tilespmem:s22], [sflag:$0x1] =	stream.indirect_vreg.gather [hbm4b:s8+s17], $0x80, v2, vm0, $0xb8;
	[tilespmem:$0xE080] =	vst v63  }
0x1b9: {  	s23 =	simm.s32 $0x3080  }
0x1ba: {  	[tilespmem:s23], [sflag:$0x1] =	stream.indirect_vreg.gather [hbm4b:s24+s17], $0x80, v2, vm0, $0xb8;
	[tilespmem:$0xE080] =	vst v63  }
0x1bb: {  	s25 =	simm.s32 $0x3880  }
0x1bc: {  	[tilespmem:s25], [sflag:$0x1] =	stream.indirect_vreg.gather [hbm4b:s26+s17], $0x80, v2, vm0, $0xb8;
	[tilespmem:$0xE080] =	vst v63  }
0x1bd: {  	s19 =	simm.s32 $0x4080  }
0x1be: {  	[tilespmem:s19], [sflag:$0x1] =	stream.indirect_vreg.gather [hbm4b:s28+s17], $0x80, v2, vm0, $0xb8;
	[tilespmem:$0xE080] =	vst v63  }
0x1bf: {  	s22 =	simm.s32 $0x4880  }
0x1c0: {  	[tilespmem:s22], [sflag:$0x1] =	stream.indirect_vreg.gather [hbm4b:s29+s17], $0x80, v2, vm0, $0xb8;
	[tilespmem:$0xE080] =	vst v63  }
0x1c1: {  	s23 =	simm.s32 $0x5080  }
0x1c2: {  	[tilespmem:s23], [sflag:$0x1] =	stream.indirect_vreg.gather [hbm4b:s30+s17], $0x80, v2, vm0, $0xb8;
	[tilespmem:$0xE080] =	vst v63  }
0x1c3: {  	s25 =	simm.s32 $0x5880  }
0x1c4: {  	[tilespmem:s25], [sflag:$0x1] =	stream.indirect_vreg.gather [hbm4b:s31+s17], $0x80, v2, vm0, $0xb8;
	[tilespmem:$0xE080] =	vst v63  }
0x1c5: {  	_ =	swait.ge [sflag:s6], $0x4000  }
0x1c6: {  	[sflag:s6] =	ssyncset.done $0x0  }
0x1c7: {  	s19 =	simm.s32 $0x60F0;
	[sflag:s6] =	ssyncadd.s32 $0xFFFFC000  }
.LBB2_20:
0x1c8: {  	s9 =	sor.u32 $0x20, s17  }
0x1c9: {  	v2 =	vmov s9;
	_ =	sdelay $0x4  }
0x1ca: {  	v2 =	vld.idx.msk [tilespmem:v2+s3+$0x0], $0xffff;
	_ =	sdelay $0x4  }
0x1cb: {  	v2 =	vxor.u32 $0x80000000, v2  }
0x1cc: {  	(xrf0) =	vmax.scan.msk.u32 $0xffff, v2;
	_ =	sdelay $0x5  }
0x1cd: {  	v2, _, _ =	vpop (xrf0)  }
0x1ce: {  	(v2sf) =	vpush v2, $0xF;
	_ =	sdelay $0xa  }
0x1cf: {  	v3 =	vld [tilespmem:s19+$0xFFFFFFA0]  }
0x1d0: {  	v5 =	vld [tilespmem:s19+$0xFFFFFFB0]  }
0x1d1: {  	v8 =	vld [tilespmem:s19+$0xFFFFFFC0]  }
0x1d2: {  	v11 =	vld [tilespmem:s19+$0xFFFFFFD0]  }
0x1d3: {  	v12 =	vld [tilespmem:s19+$0xFFFFFFE0];
	s25 =	spop (v2sf)  }
0x1d4: {  	v13 =	vld [tilespmem:s19+$0xFFFFFFF0];
	s9 =	sshll.u32 s25, $0xD  }
0x1d5: {  	v2 =	vld [tilespmem:s19+$0x0];
	s9 =	sshra.s32 s9, $0x2  }
0x1d6: {  	v10 =	vld [tilespmem:s19+$0xFFFFFF90];
	s22 =	sadd.s32 $0x8C0, s9  }
0x1d7: {  	v4 =	vld [tilespmem:s22+$0x30]  }
0x1d8: {  	v14 =	vld [tilespmem:s22+$0xFFFFFFC0]  }
0x1d9: {  	v15 =	vld [tilespmem:s22+$0xFFFFFFD0]  }
0x1da: {  	v2 =	vmul.f32 $4.525483320e+01, v2;
	v9 =	vld [tilespmem:s22+$0xFFFFFFE0]  }
0x1db: {  	v16 =	vmul.f32 $4.525483320e+01, v3;
	v6 =	vmul.f32 $4.525483320e+01, v5;
	v7 =	vld [tilespmem:s22+$0xFFFFFFF0]  }
0x1dc: {  	v17 =	vmul.f32 $4.525483320e+01, v10;
	v5 =	vmul.f32 $4.525483320e+01, v11;
	v10 =	vld [tilespmem:s22+$0x0];
	v3 =	vadd.f32 v4, v2  }
0x1dd: {  	v4 =	vmul.f32 $4.525483320e+01, v8;
	v2 =	vmul.f32 $4.525483320e+01, v12;
	v8 =	vld [tilespmem:s22+$0x10]  }
0x1de: {  	s23 =	smov.u32 s19;
	s25 =	sadd.s32 $0x400, s19;
	s9 =	simm.s32 $0x0;
	v11 =	vld [tilespmem:s22+$0x20];
	v12 =	vadd.f32 v15, v16;
	[tilespmem:s19+$0x0] =	vst v3;
	v3 =	vmul.f32 $4.525483320e+01, v13;
	v13 =	vadd.f32 v14, v17  }
.LBB2_21:
0x1df: {  	v14 =	vld [tilespmem:s25+$0x0];
	s9 =	sadd.s32 $0x8, s9;
	v6 =	vadd.f32 v9, v6  }
0x1e0: {  	s22 =	sadd.s32 $0x80, s22;
	v9 =	vld [tilespmem:s25+$0xFFFFFFA0];
	p0 =	slt.u32 s9, $0x78;
	[tilespmem:s23+$0xFFFFFF90] =	vst v13;
	v4 =	vadd.f32 v7, v4  }
0x1e1: {  	v7 =	vld [tilespmem:s22+$0x30];
	[tilespmem:s23+$0xFFFFFFA0] =	vst v12;
	v5 =	vadd.f32 v10, v5  }
0x1e2: {  	v10 =	vld [tilespmem:s25+$0xFFFFFFB0];
	[tilespmem:s23+$0xFFFFFFB0] =	vst v6;
	v2 =	vadd.f32 v8, v2  }
0x1e3: {  	v8 =	vld [tilespmem:s25+$0xFFFFFFC0];
	[tilespmem:s23+$0xFFFFFFC0] =	vst v4;
	v3 =	vadd.f32 v11, v3  }
0x1e4: {  	v11 =	vld [tilespmem:s25+$0xFFFFFFD0];
	v4 =	vmul.f32 $4.525483320e+01, v14;
	[tilespmem:s23+$0xFFFFFFD0] =	vst v5  }
0x1e5: {  	v12 =	vmul.f32 $4.525483320e+01, v9;
	v13 =	vld [tilespmem:s25+$0xFFFFFFE0];
	[tilespmem:s23+$0xFFFFFFE0] =	vst v2  }
0x1e6: {  	v14 =	vld [tilespmem:s25+$0xFFFFFFF0];
	v2 =	vadd.f32 v7, v4;
	[tilespmem:s23+$0xFFFFFFF0] =	vst v3;
	s23 =	smov.u32 s25  }
0x1e7: {  	v15 =	vld [tilespmem:s25+$0xFFFFFF90];
	v6 =	vmul.f32 $4.525483320e+01, v10  }
0x1e8: {  	v16 =	vld [tilespmem:s22+$0xFFFFFFC0];
	v4 =	vmul.f32 $4.525483320e+01, v8;
	[tilespmem:s25+$0x0] =	vst v2  }
0x1e9: {  	v17 =	vld [tilespmem:s22+$0xFFFFFFD0];
	v5 =	vmul.f32 $4.525483320e+01, v11  }
.Ltmp9:
0x1ea: {  	v9 =	vld [tilespmem:s22+$0xFFFFFFE0];
	v2 =	vmul.f32 $4.525483320e+01, v13;
	(pc) =	sbr.rel @p0 .LBB2_21-.Ltmp9, $4  }
0x1eb: {  	v7 =	vld [tilespmem:s22+$0xFFFFFFF0];
	v3 =	vmul.f32 $4.525483320e+01, v14  }
0x1ec: {  	v11 =	vmul.f32 $4.525483320e+01, v15;
	v10 =	vld [tilespmem:s22+$0x0]  }
0x1ed: {  	v8 =	vld [tilespmem:s22+$0x10]  }
0x1ee: {  	s25 =	sadd.s32 $0x400, s25;
	v13 =	vadd.f32 v16, v11;
	v12 =	vadd.f32 v17, v12;
	v11 =	vld [tilespmem:s22+$0x20]  }
0x1ef: {  	_ = 	snop  }
0x1f0: {  	v6 =	vadd.f32 v9, v6;
	s17 =	sadd.s32 $0x1, s17;
	[tilespmem:s23+$0xFFFFFF90] =	vst v13  }
0x1f1: {  	v4 =	vadd.f32 v7, v4;
	[tilespmem:s23+$0xFFFFFFA0] =	vst v12;
	p0 =	sne.s32 s17, $0x8  }
.Ltmp10:
0x1f2: {  	v5 =	vadd.f32 v10, v5;
	[tilespmem:s23+$0xFFFFFFB0] =	vst v6;
	(pc) =	sbr.rel @p0 .LBB2_20-.Ltmp10, $4  }
0x1f3: {  	v2 =	vadd.f32 v8, v2;
	[tilespmem:s23+$0xFFFFFFC0] =	vst v4  }
0x1f4: {  	v3 =	vadd.f32 v11, v3;
	[tilespmem:s23+$0xFFFFFFD0] =	vst v5  }
0x1f5: {  	[tilespmem:s23+$0xFFFFFFE0] =	vst v2  }
0x1f6: {  	s19 =	sadd.s32 $0x80, s19;
	[tilespmem:s23+$0xFFFFFFF0] =	vst v3  }
0x1f7: {  	s17 =	simm.s32 $0x0;
	s9 =	rddreg [dreg:$0x13]  }
0x1f8: {  	[hbm4b:s9+s17] =	stream.linear.scatter [tilespmem:s21], [sflag:$0x5], $0x4000, $0x38;
	[tilespmem:$0xE080] =	vst v63  }
0x1f9: {  	_ =	swait.ge [sflag:s7], $0x4000  }
0x1fa: {  	[sflag:s7] =	ssyncset.done $0x0  }
0x1fb: {  	s25 =	rddreg [dreg:$0x14];
	[sflag:s7] =	ssyncadd.s32 $0xFFFFC000  }
0x1fc: {  	v2 =	vld.msk [tilespmem:s25+$0x0], $0xff;
	_ =	sdelay $0x4  }
0x1fd: {  	v3 =	vshll.u32 v2, $0x4  }
0x1fe: {  	v2 =	vand.u32 $0x7, v2;
	v3 =	vand.u32 $0xFFFFFF80, v3  }
0x1ff: {  	v2 =	vor.u32 v2, v3  }
0x200: {  	v2 =	vperm.xlane v2, v0;
	_ =	sdelay $0x1  }
0x201: {  	v2 =	vadd.s32 v1, v2;
	_ =	sdelay $0x4  }
0x202: {  	[tilespmem:s21], [sflag:$0x2] =	stream.indirect_vreg.gather [hbm4b:s2+s17], $0x80, v2, vm0, $0xb8;
	[tilespmem:$0xE080] =	vst v63  }
0x203: {  	s19 =	simm.s32 $0x6880  }
0x204: {  	[tilespmem:s19], [sflag:$0x2] =	stream.indirect_vreg.gather [hbm4b:s8+s17], $0x80, v2, vm0, $0xb8;
	[tilespmem:$0xE080] =	vst v63  }
0x205: {  	s22 =	simm.s32 $0x7080  }
0x206: {  	[tilespmem:s22], [sflag:$0x2] =	stream.indirect_vreg.gather [hbm4b:s24+s17], $0x80, v2, vm0, $0xb8;
	[tilespmem:$0xE080] =	vst v63  }
0x207: {  	s23 =	simm.s32 $0x7880  }
0x208: {  	[tilespmem:s23], [sflag:$0x2] =	stream.indirect_vreg.gather [hbm4b:s26+s17], $0x80, v2, vm0, $0xb8;
	[tilespmem:$0xE080] =	vst v63  }
0x209: {  	s25 =	simm.s32 $0x8080  }
0x20a: {  	[tilespmem:s25], [sflag:$0x2] =	stream.indirect_vreg.gather [hbm4b:s28+s17], $0x80, v2, vm0, $0xb8;
	[tilespmem:$0xE080] =	vst v63  }
0x20b: {  	_ = 	snop  }
0x20c: {  	[tilespmem:s10], [sflag:$0x2] =	stream.indirect_vreg.gather [hbm4b:s29+s17], $0x80, v2, vm0, $0xb8;
	[tilespmem:$0xE080] =	vst v63  }
0x20d: {  	_ = 	snop  }
0x20e: {  	[tilespmem:s12], [sflag:$0x2] =	stream.indirect_vreg.gather [hbm4b:s30+s17], $0x80, v2, vm0, $0xb8;
	[tilespmem:$0xE080] =	vst v63  }
0x20f: {  	_ = 	snop  }
0x210: {  	[tilespmem:s14], [sflag:$0x2] =	stream.indirect_vreg.gather [hbm4b:s31+s17], $0x80, v2, vm0, $0xb8;
	[tilespmem:$0xE080] =	vst v63  }
0x211: {  	_ =	swait.ge [sflag:s11], $0x4000  }
0x212: {  	[sflag:s11] =	ssyncset.done $0x0  }
0x213: {  	s19 =	simm.s32 $0xA0F0;
	[sflag:s11] =	ssyncadd.s32 $0xFFFFC000  }
.LBB2_24:
0x214: {  	s9 =	sor.u32 $0x28, s17  }
0x215: {  	v2 =	vmov s9;
	_ =	sdelay $0x4  }
0x216: {  	v2 =	vld.idx.msk [tilespmem:v2+s3+$0x0], $0xffff;
	_ =	sdelay $0x4  }
0x217: {  	v2 =	vxor.u32 $0x80000000, v2  }
0x218: {  	(xrf0) =	vmax.scan.msk.u32 $0xffff, v2;
	_ =	sdelay $0x5  }
0x219: {  	v2, _, _ =	vpop (xrf0)  }
0x21a: {  	(v2sf) =	vpush v2, $0xF;
	_ =	sdelay $0xa  }
0x21b: {  	v3 =	vld [tilespmem:s19+$0xFFFFFFA0]  }
0x21c: {  	v5 =	vld [tilespmem:s19+$0xFFFFFFB0]  }
0x21d: {  	v8 =	vld [tilespmem:s19+$0xFFFFFFC0]  }
0x21e: {  	v11 =	vld [tilespmem:s19+$0xFFFFFFD0]  }
0x21f: {  	v12 =	vld [tilespmem:s19+$0xFFFFFFE0];
	s25 =	spop (v2sf)  }
0x220: {  	v13 =	vld [tilespmem:s19+$0xFFFFFFF0];
	s9 =	sshll.u32 s25, $0xD  }
0x221: {  	v2 =	vld [tilespmem:s19+$0x0];
	s9 =	sshra.s32 s9, $0x2  }
0x222: {  	v10 =	vld [tilespmem:s19+$0xFFFFFF90];
	s22 =	sadd.s32 $0x8C0, s9  }
0x223: {  	v4 =	vld [tilespmem:s22+$0x30]  }
0x224: {  	v14 =	vld [tilespmem:s22+$0xFFFFFFC0]  }
0x225: {  	v15 =	vld [tilespmem:s22+$0xFFFFFFD0]  }
0x226: {  	v2 =	vmul.f32 $4.525483320e+01, v2;
	v9 =	vld [tilespmem:s22+$0xFFFFFFE0]  }
0x227: {  	v16 =	vmul.f32 $4.525483320e+01, v3;
	v6 =	vmul.f32 $4.525483320e+01, v5;
	v7 =	vld [tilespmem:s22+$0xFFFFFFF0]  }
0x228: {  	v17 =	vmul.f32 $4.525483320e+01, v10;
	v5 =	vmul.f32 $4.525483320e+01, v11;
	v10 =	vld [tilespmem:s22+$0x0];
	v3 =	vadd.f32 v4, v2  }
0x229: {  	v4 =	vmul.f32 $4.525483320e+01, v8;
	v2 =	vmul.f32 $4.525483320e+01, v12;
	v8 =	vld [tilespmem:s22+$0x10]  }
0x22a: {  	s23 =	smov.u32 s19;
	s25 =	sadd.s32 $0x400, s19;
	s9 =	simm.s32 $0x0;
	v11 =	vld [tilespmem:s22+$0x20];
	v12 =	vadd.f32 v15, v16;
	[tilespmem:s19+$0x0] =	vst v3;
	v3 =	vmul.f32 $4.525483320e+01, v13;
	v13 =	vadd.f32 v14, v17  }
.LBB2_25:
0x22b: {  	v14 =	vld [tilespmem:s25+$0x0];
	s9 =	sadd.s32 $0x8, s9;
	v6 =	vadd.f32 v9, v6  }
0x22c: {  	s22 =	sadd.s32 $0x80, s22;
	v9 =	vld [tilespmem:s25+$0xFFFFFFA0];
	p0 =	slt.u32 s9, $0x78;
	[tilespmem:s23+$0xFFFFFF90] =	vst v13;
	v4 =	vadd.f32 v7, v4  }
0x22d: {  	v7 =	vld [tilespmem:s22+$0x30];
	[tilespmem:s23+$0xFFFFFFA0] =	vst v12;
	v5 =	vadd.f32 v10, v5  }
0x22e: {  	v10 =	vld [tilespmem:s25+$0xFFFFFFB0];
	[tilespmem:s23+$0xFFFFFFB0] =	vst v6;
	v2 =	vadd.f32 v8, v2  }
0x22f: {  	v8 =	vld [tilespmem:s25+$0xFFFFFFC0];
	[tilespmem:s23+$0xFFFFFFC0] =	vst v4;
	v3 =	vadd.f32 v11, v3  }
0x230: {  	v11 =	vld [tilespmem:s25+$0xFFFFFFD0];
	v4 =	vmul.f32 $4.525483320e+01, v14;
	[tilespmem:s23+$0xFFFFFFD0] =	vst v5  }
0x231: {  	v12 =	vmul.f32 $4.525483320e+01, v9;
	v13 =	vld [tilespmem:s25+$0xFFFFFFE0];
	[tilespmem:s23+$0xFFFFFFE0] =	vst v2  }
0x232: {  	v14 =	vld [tilespmem:s25+$0xFFFFFFF0];
	v2 =	vadd.f32 v7, v4;
	[tilespmem:s23+$0xFFFFFFF0] =	vst v3;
	s23 =	smov.u32 s25  }
0x233: {  	v15 =	vld [tilespmem:s25+$0xFFFFFF90];
	v6 =	vmul.f32 $4.525483320e+01, v10  }
0x234: {  	v16 =	vld [tilespmem:s22+$0xFFFFFFC0];
	v4 =	vmul.f32 $4.525483320e+01, v8;
	[tilespmem:s25+$0x0] =	vst v2  }
0x235: {  	v17 =	vld [tilespmem:s22+$0xFFFFFFD0];
	v5 =	vmul.f32 $4.525483320e+01, v11  }
.Ltmp11:
0x236: {  	v9 =	vld [tilespmem:s22+$0xFFFFFFE0];
	v2 =	vmul.f32 $4.525483320e+01, v13;
	(pc) =	sbr.rel @p0 .LBB2_25-.Ltmp11, $4  }
0x237: {  	v7 =	vld [tilespmem:s22+$0xFFFFFFF0];
	v3 =	vmul.f32 $4.525483320e+01, v14  }
0x238: {  	v11 =	vmul.f32 $4.525483320e+01, v15;
	v10 =	vld [tilespmem:s22+$0x0]  }
0x239: {  	v8 =	vld [tilespmem:s22+$0x10]  }
0x23a: {  	s25 =	sadd.s32 $0x400, s25;
	v13 =	vadd.f32 v16, v11;
	v12 =	vadd.f32 v17, v12;
	v11 =	vld [tilespmem:s22+$0x20]  }
0x23b: {  	_ = 	snop  }
0x23c: {  	v6 =	vadd.f32 v9, v6;
	s17 =	sadd.s32 $0x1, s17;
	[tilespmem:s23+$0xFFFFFF90] =	vst v13  }
0x23d: {  	v4 =	vadd.f32 v7, v4;
	[tilespmem:s23+$0xFFFFFFA0] =	vst v12;
	p0 =	sne.s32 s17, $0x8  }
.Ltmp12:
0x23e: {  	v5 =	vadd.f32 v10, v5;
	[tilespmem:s23+$0xFFFFFFB0] =	vst v6;
	(pc) =	sbr.rel @p0 .LBB2_24-.Ltmp12, $4  }
0x23f: {  	v2 =	vadd.f32 v8, v2;
	[tilespmem:s23+$0xFFFFFFC0] =	vst v4  }
0x240: {  	v3 =	vadd.f32 v11, v3;
	[tilespmem:s23+$0xFFFFFFD0] =	vst v5  }
0x241: {  	[tilespmem:s23+$0xFFFFFFE0] =	vst v2  }
0x242: {  	s19 =	sadd.s32 $0x80, s19;
	[tilespmem:s23+$0xFFFFFFF0] =	vst v3  }
0x243: {  	s17 =	simm.s32 $0x0;
	s9 =	rddreg [dreg:$0x15]  }
0x244: {  	[hbm4b:s9+s17] =	stream.linear.scatter [tilespmem:s20], [sflag:$0x6], $0x4000, $0x38;
	[tilespmem:$0xE080] =	vst v63  }
0x245: {  	_ =	swait.ge [sflag:s5], $0x4000  }
0x246: {  	[sflag:s5] =	ssyncset.done $0x0  }
0x247: {  	s19 =	simm.s32 $0x20C0;
	[sflag:s5] =	ssyncadd.s32 $0xFFFFC000  }
.LBB2_28:
0x248: {  	s9 =	sor.u32 $0x30, s17  }
0x249: {  	v2 =	vmov s9;
	_ =	sdelay $0x4  }
0x24a: {  	v2 =	vld.idx.msk [tilespmem:v2+s3+$0x0], $0xffff;
	_ =	sdelay $0x4  }
0x24b: {  	v2 =	vxor.u32 $0x80000000, v2  }
0x24c: {  	(xrf0) =	vmax.scan.msk.u32 $0xffff, v2;
	_ =	sdelay $0x5  }
0x24d: {  	v2, _, _ =	vpop (xrf0)  }
0x24e: {  	(v2sf) =	vpush v2, $0xF;
	_ =	sdelay $0xa  }
0x24f: {  	v3 =	vld [tilespmem:s19+$0xFFFFFFD0]  }
0x250: {  	v5 =	vld [tilespmem:s19+$0xFFFFFFE0]  }
0x251: {  	v8 =	vld [tilespmem:s19+$0xFFFFFFF0]  }
0x252: {  	v11 =	vld [tilespmem:s19+$0x0]  }
0x253: {  	v12 =	vld [tilespmem:s19+$0x10];
	s25 =	spop (v2sf)  }
0x254: {  	v13 =	vld [tilespmem:s19+$0x20];
	s9 =	sshll.u32 s25, $0xD  }
0x255: {  	v2 =	vld [tilespmem:s19+$0x30];
	s9 =	sshra.s32 s9, $0x2  }
0x256: {  	v10 =	vld [tilespmem:s19+$0xFFFFFFC0];
	s22 =	sadd.s32 $0x8C0, s9  }
0x257: {  	v4 =	vld [tilespmem:s22+$0x30]  }
0x258: {  	v14 =	vld [tilespmem:s22+$0xFFFFFFC0]  }
0x259: {  	v15 =	vld [tilespmem:s22+$0xFFFFFFD0]  }
0x25a: {  	v2 =	vmul.f32 $4.525483320e+01, v2;
	v9 =	vld [tilespmem:s22+$0xFFFFFFE0]  }
0x25b: {  	v16 =	vmul.f32 $4.525483320e+01, v3;
	v6 =	vmul.f32 $4.525483320e+01, v5;
	v7 =	vld [tilespmem:s22+$0xFFFFFFF0]  }
0x25c: {  	v17 =	vmul.f32 $4.525483320e+01, v10;
	v5 =	vmul.f32 $4.525483320e+01, v11;
	v10 =	vld [tilespmem:s22+$0x0];
	v3 =	vadd.f32 v4, v2  }
0x25d: {  	v4 =	vmul.f32 $4.525483320e+01, v8;
	v2 =	vmul.f32 $4.525483320e+01, v12;
	v8 =	vld [tilespmem:s22+$0x10]  }
0x25e: {  	s23 =	smov.u32 s19;
	s25 =	sadd.s32 $0x400, s19;
	s9 =	simm.s32 $0x0;
	v11 =	vld [tilespmem:s22+$0x20];
	v12 =	vadd.f32 v15, v16;
	[tilespmem:s19+$0x30] =	vst v3;
	v3 =	vmul.f32 $4.525483320e+01, v13;
	v13 =	vadd.f32 v14, v17  }
.LBB2_29:
0x25f: {  	v14 =	vld [tilespmem:s25+$0x30];
	s9 =	sadd.s32 $0x8, s9;
	v6 =	vadd.f32 v9, v6  }
0x260: {  	s22 =	sadd.s32 $0x80, s22;
	v9 =	vld [tilespmem:s25+$0xFFFFFFD0];
	p0 =	slt.u32 s9, $0x78;
	[tilespmem:s23+$0xFFFFFFC0] =	vst v13;
	v4 =	vadd.f32 v7, v4  }
0x261: {  	v7 =	vld [tilespmem:s22+$0x30];
	[tilespmem:s23+$0xFFFFFFD0] =	vst v12;
	v5 =	vadd.f32 v10, v5  }
0x262: {  	v10 =	vld [tilespmem:s25+$0xFFFFFFE0];
	[tilespmem:s23+$0xFFFFFFE0] =	vst v6;
	v2 =	vadd.f32 v8, v2  }
0x263: {  	v8 =	vld [tilespmem:s25+$0xFFFFFFF0];
	[tilespmem:s23+$0xFFFFFFF0] =	vst v4;
	v3 =	vadd.f32 v11, v3  }
0x264: {  	v11 =	vld [tilespmem:s25+$0x0];
	v4 =	vmul.f32 $4.525483320e+01, v14;
	[tilespmem:s23+$0x0] =	vst v5  }
0x265: {  	v12 =	vmul.f32 $4.525483320e+01, v9;
	v13 =	vld [tilespmem:s25+$0x10];
	[tilespmem:s23+$0x10] =	vst v2  }
0x266: {  	v14 =	vld [tilespmem:s25+$0x20];
	v2 =	vadd.f32 v7, v4;
	[tilespmem:s23+$0x20] =	vst v3;
	s23 =	smov.u32 s25  }
0x267: {  	v15 =	vld [tilespmem:s25+$0xFFFFFFC0];
	v6 =	vmul.f32 $4.525483320e+01, v10  }
0x268: {  	v16 =	vld [tilespmem:s22+$0xFFFFFFC0];
	v4 =	vmul.f32 $4.525483320e+01, v8;
	[tilespmem:s25+$0x30] =	vst v2  }
0x269: {  	v17 =	vld [tilespmem:s22+$0xFFFFFFD0];
	v5 =	vmul.f32 $4.525483320e+01, v11  }
.Ltmp13:
0x26a: {  	v9 =	vld [tilespmem:s22+$0xFFFFFFE0];
	v2 =	vmul.f32 $4.525483320e+01, v13;
	(pc) =	sbr.rel @p0 .LBB2_29-.Ltmp13, $4  }
0x26b: {  	v7 =	vld [tilespmem:s22+$0xFFFFFFF0];
	v3 =	vmul.f32 $4.525483320e+01, v14  }
0x26c: {  	v11 =	vmul.f32 $4.525483320e+01, v15;
	v10 =	vld [tilespmem:s22+$0x0]  }
0x26d: {  	v8 =	vld [tilespmem:s22+$0x10]  }
0x26e: {  	s25 =	sadd.s32 $0x400, s25;
	v13 =	vadd.f32 v16, v11;
	v12 =	vadd.f32 v17, v12;
	v11 =	vld [tilespmem:s22+$0x20]  }
0x26f: {  	_ = 	snop  }
0x270: {  	v6 =	vadd.f32 v9, v6;
	s17 =	sadd.s32 $0x1, s17;
	[tilespmem:s23+$0xFFFFFFC0] =	vst v13  }
0x271: {  	v4 =	vadd.f32 v7, v4;
	[tilespmem:s23+$0xFFFFFFD0] =	vst v12;
	p0 =	sne.s32 s17, $0x8  }
.Ltmp14:
0x272: {  	v5 =	vadd.f32 v10, v5;
	[tilespmem:s23+$0xFFFFFFE0] =	vst v6;
	(pc) =	sbr.rel @p0 .LBB2_28-.Ltmp14, $4  }
0x273: {  	v2 =	vadd.f32 v8, v2;
	[tilespmem:s23+$0xFFFFFFF0] =	vst v4  }
0x274: {  	v3 =	vadd.f32 v11, v3;
	[tilespmem:s23+$0x0] =	vst v5  }
0x275: {  	[tilespmem:s23+$0x10] =	vst v2  }
0x276: {  	s19 =	sadd.s32 $0x80, s19;
	[tilespmem:s23+$0x20] =	vst v3  }
0x277: {  	s17 =	simm.s32 $0x0;
	s9 =	rddreg [dreg:$0x16]  }
0x278: {  	[hbm4b:s9+s17] =	stream.linear.scatter [tilespmem:s0], [sflag:$0x4], $0x4000, $0x38;
	[tilespmem:$0xE080] =	vst v63  }
0x279: {  	_ =	swait.ge [sflag:s6], $0x4000  }
0x27a: {  	[sflag:s6] =	ssyncset.done $0x0  }
0x27b: {  	s19 =	simm.s32 $0x60F0;
	[sflag:s6] =	ssyncadd.s32 $0xFFFFC000  }
.LBB2_32:
0x27c: {  	s9 =	sor.u32 $0x38, s17  }
0x27d: {  	v2 =	vmov s9;
	_ =	sdelay $0x4  }
0x27e: {  	v2 =	vld.idx.msk [tilespmem:v2+s3+$0x0], $0xffff;
	_ =	sdelay $0x4  }
0x27f: {  	v2 =	vxor.u32 $0x80000000, v2  }
0x280: {  	(xrf0) =	vmax.scan.msk.u32 $0xffff, v2;
	_ =	sdelay $0x5  }
0x281: {  	v2, _, _ =	vpop (xrf0)  }
0x282: {  	(v2sf) =	vpush v2, $0xF;
	_ =	sdelay $0xa  }
0x283: {  	v3 =	vld [tilespmem:s19+$0xFFFFFFA0]  }
0x284: {  	v5 =	vld [tilespmem:s19+$0xFFFFFFB0]  }
0x285: {  	v8 =	vld [tilespmem:s19+$0xFFFFFFC0]  }
0x286: {  	v11 =	vld [tilespmem:s19+$0xFFFFFFD0]  }
0x287: {  	v12 =	vld [tilespmem:s19+$0xFFFFFFE0];
	s25 =	spop (v2sf)  }
0x288: {  	v13 =	vld [tilespmem:s19+$0xFFFFFFF0];
	s9 =	sshll.u32 s25, $0xD  }
0x289: {  	v2 =	vld [tilespmem:s19+$0x0];
	s9 =	sshra.s32 s9, $0x2  }
0x28a: {  	v10 =	vld [tilespmem:s19+$0xFFFFFF90];
	s22 =	sadd.s32 $0x8C0, s9  }
0x28b: {  	v4 =	vld [tilespmem:s22+$0x30]  }
0x28c: {  	v14 =	vld [tilespmem:s22+$0xFFFFFFC0]  }
0x28d: {  	v15 =	vld [tilespmem:s22+$0xFFFFFFD0]  }
0x28e: {  	v2 =	vmul.f32 $4.525483320e+01, v2;
	v9 =	vld [tilespmem:s22+$0xFFFFFFE0]  }
0x28f: {  	v16 =	vmul.f32 $4.525483320e+01, v3;
	v6 =	vmul.f32 $4.525483320e+01, v5;
	v7 =	vld [tilespmem:s22+$0xFFFFFFF0]  }
0x290: {  	v17 =	vmul.f32 $4.525483320e+01, v10;
	v5 =	vmul.f32 $4.525483320e+01, v11;
	v10 =	vld [tilespmem:s22+$0x0];
	v3 =	vadd.f32 v4, v2  }
0x291: {  	v4 =	vmul.f32 $4.525483320e+01, v8;
	v2 =	vmul.f32 $4.525483320e+01, v12;
	v8 =	vld [tilespmem:s22+$0x10]  }
0x292: {  	s23 =	smov.u32 s19;
	s25 =	sadd.s32 $0x400, s19;
	s9 =	simm.s32 $0x0;
	v11 =	vld [tilespmem:s22+$0x20];
	v12 =	vadd.f32 v15, v16;
	[tilespmem:s19+$0x0] =	vst v3;
	v3 =	vmul.f32 $4.525483320e+01, v13;
	v13 =	vadd.f32 v14, v17  }
.LBB2_33:
0x293: {  	v14 =	vld [tilespmem:s25+$0x0];
	s9 =	sadd.s32 $0x8, s9;
	v6 =	vadd.f32 v9, v6  }
0x294: {  	s22 =	sadd.s32 $0x80, s22;
	v9 =	vld [tilespmem:s25+$0xFFFFFFA0];
	p0 =	slt.u32 s9, $0x78;
	[tilespmem:s23+$0xFFFFFF90] =	vst v13;
	v4 =	vadd.f32 v7, v4  }
0x295: {  	v7 =	vld [tilespmem:s22+$0x30];
	[tilespmem:s23+$0xFFFFFFA0] =	vst v12;
	v5 =	vadd.f32 v10, v5  }
0x296: {  	v10 =	vld [tilespmem:s25+$0xFFFFFFB0];
	[tilespmem:s23+$0xFFFFFFB0] =	vst v6;
	v2 =	vadd.f32 v8, v2  }
0x297: {  	v8 =	vld [tilespmem:s25+$0xFFFFFFC0];
	[tilespmem:s23+$0xFFFFFFC0] =	vst v4;
	v3 =	vadd.f32 v11, v3  }
0x298: {  	v11 =	vld [tilespmem:s25+$0xFFFFFFD0];
	v4 =	vmul.f32 $4.525483320e+01, v14;
	[tilespmem:s23+$0xFFFFFFD0] =	vst v5  }
0x299: {  	v12 =	vmul.f32 $4.525483320e+01, v9;
	v13 =	vld [tilespmem:s25+$0xFFFFFFE0];
	[tilespmem:s23+$0xFFFFFFE0] =	vst v2  }
0x29a: {  	v14 =	vld [tilespmem:s25+$0xFFFFFFF0];
	v2 =	vadd.f32 v7, v4;
	[tilespmem:s23+$0xFFFFFFF0] =	vst v3;
	s23 =	smov.u32 s25  }
0x29b: {  	v15 =	vld [tilespmem:s25+$0xFFFFFF90];
	v6 =	vmul.f32 $4.525483320e+01, v10  }
0x29c: {  	v16 =	vld [tilespmem:s22+$0xFFFFFFC0];
	v4 =	vmul.f32 $4.525483320e+01, v8;
	[tilespmem:s25+$0x0] =	vst v2  }
0x29d: {  	v17 =	vld [tilespmem:s22+$0xFFFFFFD0];
	v5 =	vmul.f32 $4.525483320e+01, v11  }
.Ltmp15:
0x29e: {  	v9 =	vld [tilespmem:s22+$0xFFFFFFE0];
	v2 =	vmul.f32 $4.525483320e+01, v13;
	(pc) =	sbr.rel @p0 .LBB2_33-.Ltmp15, $4  }
0x29f: {  	v7 =	vld [tilespmem:s22+$0xFFFFFFF0];
	v3 =	vmul.f32 $4.525483320e+01, v14  }
0x2a0: {  	v11 =	vmul.f32 $4.525483320e+01, v15;
	v10 =	vld [tilespmem:s22+$0x0]  }
0x2a1: {  	v8 =	vld [tilespmem:s22+$0x10]  }
0x2a2: {  	s25 =	sadd.s32 $0x400, s25;
	v13 =	vadd.f32 v16, v11;
	v12 =	vadd.f32 v17, v12;
	v11 =	vld [tilespmem:s22+$0x20]  }
0x2a3: {  	_ = 	snop  }
0x2a4: {  	v6 =	vadd.f32 v9, v6;
	s17 =	sadd.s32 $0x1, s17;
	[tilespmem:s23+$0xFFFFFF90] =	vst v13  }
0x2a5: {  	v4 =	vadd.f32 v7, v4;
	[tilespmem:s23+$0xFFFFFFA0] =	vst v12;
	p0 =	sne.s32 s17, $0x8  }
.Ltmp16:
0x2a6: {  	v5 =	vadd.f32 v10, v5;
	[tilespmem:s23+$0xFFFFFFB0] =	vst v6;
	(pc) =	sbr.rel @p0 .LBB2_32-.Ltmp16, $4  }
0x2a7: {  	v2 =	vadd.f32 v8, v2;
	[tilespmem:s23+$0xFFFFFFC0] =	vst v4  }
0x2a8: {  	v3 =	vadd.f32 v11, v3;
	[tilespmem:s23+$0xFFFFFFD0] =	vst v5  }
0x2a9: {  	[tilespmem:s23+$0xFFFFFFE0] =	vst v2  }
0x2aa: {  	s19 =	sadd.s32 $0x80, s19;
	[tilespmem:s23+$0xFFFFFFF0] =	vst v3  }
0x2ab: {  	s9 =	rddreg [dreg:$0x17]  }
0x2ac: {  	[hbm4b:s9+s4] =	stream.linear.scatter [tilespmem:s21], [sflag:$0x5], $0x4000, $0x38;
	[tilespmem:$0xE080] =	vst v63  }
0x2ad: {  	_ =	swait.ge [sflag:s1], $0x4000  }
0x2ae: {  	[sflag:s1] =	ssyncset.done $0x0  }
0x2af: {  	[sflag:s1] =	ssyncadd.s32 $0xFFFFC000  }
0x2b0: {  	_ =	swait.ge [sflag:s7], $0x4000  }
0x2b1: {  	[sflag:s7] =	ssyncset.done $0x0  }
0x2b2: {  	[sflag:s7] =	ssyncadd.s32 $0xFFFFC000  }
0x2b3: {  	_ =	swait.ge [sflag:s13], $0x4000  }
0x2b4: {  	s15 =	sadd.s32 $0x1, s15;
	s25 =	rddreg [dreg:$0x18]  }
0x2b5: {  	p0 =	sne.s32 s15, s25  }
.Ltmp17:
0x2b6: {  	_ = 	snop;
	(pc) =	sbr.rel @p0 .LBB2_1-.Ltmp17, $3  }
0x2b7: {  	_ =	sdelay $0x1  }
0x2b8: {  	[sflag:s13] =	ssyncset.done $0x0  }
0x2b9: {  	[sflag:s13] =	ssyncadd.s32 $0xFFFFC000  }
0x2ba: {  	_ =	sfence.sel $0x180000  }
0x2bb: {  	[bflag:$0x0] =	sbarrier.arrive $0xFFFF  }
0x2bc: {  	_ =	strace $0x90000047  }
0x2bd: {  	s0 =	stileid.u32;
	[bflag:$0x2] =	sbarrier.arrive $0xFFFF  }
0x2be: {  	p0 =	sne.s32 s0, $0x0;
	s0 =	rddreg [dreg:$0x5]  }
0x2bf: {  	s0 =	sadd.s32 @!p0 $0x100000, s0  }
0x2c0: {  	[sflag:s0] =	ssyncadd.tile.s32 @!p0 $0x1;
	_ =	shalt  }
.Lfunc_end2:
_tile_overlayer_lowered:
.L_overlay_start_2:
0x2c1: {  	(tag) =	ssettag $0x2  }
0x2c2: {  	s0 =	rddreg [dreg:$0x0];
	s2 =	stileid.u32  }
0x2c3: {  	s1 =	rddreg [dreg:$0x1];
	p0 =	sne.s32 s2, $0x0  }
0x2c4: {  	s3 =	rddreg [dreg:$0x2];
	[bflag:$0x3] =	sbarrier.arrive $0xFFFF;
	s2 =	simm.s32 @!p0 $0x1C0A  }
0x2c5: {  	[timem:s3], [sflag:s2] =	dma.local @!p0 [hbm:s0], s1  }
0x2c6: {  	s0 =	simm.s32 @!p0 $0xA  }
0x2c7: {  	_ =	swait.ge @!p0 [sflag:s0], s1  }
0x2c8: {  	s1 =	ssub.s32 @!p0 $0x0, s1;
	[sflag:s0] =	ssyncset.done @!p0 $0x0  }
0x2c9: {  	[sflag:s0] =	ssyncadd.s32 @!p0 s1  }
0x2ca: {  	[bflag:$0x3] =	sbarrier.arrive $0xFFFF  }
0x2cb: {  	_ =	shalt  }

</sc_bundles>
